<compile_context>
chip_gen: v7x
topology: tpu7x:2x2x1
jax: 0.10.2.dev20260603
libtpu: 0.0.44.dev20260713+nightly
codegen_flags: <defaults>
</compile_context>

<pallas_src>
import jax
import jax.numpy as jnp
from jax import lax
from jax.experimental import pallas as pl
from jax.experimental.pallas import tpu as pltpu
from jax.experimental.pallas import tpu_sc as plsc

D = 32
SEQ = 50
B = 16384
L = 16
NC, NS = 2, 16
NW = NC * NS
SENT_PER_W = B // NW
CHS = 32
NCHUNK = SENT_PER_W // CHS
TOK = CHS * SEQ

TB = 8192
QS = TB // 4


def _tr_body(x_ref, o_ref):
    x = x_ref[...]
    o_ref[...] = jnp.concatenate(
        [jnp.transpose(x[:, q * QS:(q + 1) * QS]) for q in range(4)], axis=1
    )


def _tc_linearize(table):
    v = table.shape[0]
    nb = pl.cdiv(v, TB)
    tt = jnp.swapaxes(table, 0, 1)
    lin = pl.pallas_call(
        _tr_body,
        grid=(nb,),
        in_specs=[pl.BlockSpec((D, TB), lambda i: (0, i))],
        out_specs=pl.BlockSpec((QS, 128), lambda i: (i, 0)),
        out_shape=jax.ShapeDtypeStruct((nb * QS, 128), jnp.float32),
    )(tt)
    return lin.reshape(nb * TB, D)


def _body(ids_hbm, table_hbm, out_hbm, idx0, idx1, rows0, rows1, out_v,
          sem0, sem1):
    wid = lax.axis_index("s") * NC + lax.axis_index("c")
    tok_base = wid * (SENT_PER_W * SEQ)
    sent_base = wid * SENT_PER_W

    def fire(c, idx_v, rows_v, sem):
        pltpu.sync_copy(ids_hbm.at[pl.ds(tok_base + c * TOK, TOK)], idx_v)

        def remap(k, carry):
            t = idx_v[pl.ds(k * L, L)]
            b = lax.bitwise_and(t, TB - 1)
            p = (lax.bitwise_and(t, ~(TB - 1))
                 + lax.shift_left(lax.bitwise_and(t, QS - 1), 2)
                 + lax.shift_right_logical(b, 11))
            idx_v[pl.ds(k * L, L)] = p
            return carry

        lax.fori_loop(0, TOK // L, remap, 0)
        pltpu.async_copy(table_hbm.at[idx_v], rows_v, sem)

    def drain_and_pool(c, idx_v, rows_v, sem):
        pltpu.make_async_copy(table_hbm.at[idx_v], rows_v, sem).wait()

        def sent(s, carry):
            base = s * SEQ
            acc0 = rows_v[base, pl.ds(0, L)]
            acc1 = rows_v[base, pl.ds(L, L)]
            for r in range(1, SEQ):
                acc0 = acc0 + rows_v[base + r, pl.ds(0, L)]
                acc1 = acc1 + rows_v[base + r, pl.ds(L, L)]
            out_v[s, pl.ds(0, L)] = acc0 * (1.0 / SEQ)
            out_v[s, pl.ds(L, L)] = acc1 * (1.0 / SEQ)
            return carry

        lax.fori_loop(0, CHS, sent, 0)
        pltpu.sync_copy(out_v, out_hbm.at[pl.ds(sent_base + c * CHS, CHS)])

    fire(0, idx0, rows0, sem0)

    def pair(i, carry):
        a = 2 * i
        b = a + 1
        fire(b, idx1, rows1, sem1)
        drain_and_pool(a, idx0, rows0, sem0)

        @pl.when(b + 1 < NCHUNK)
        def _():
            fire(b + 1, idx0, rows0, sem0)

        drain_and_pool(b, idx1, rows1, sem1)
        return carry

    lax.fori_loop(0, NCHUNK // 2, pair, 0)


def kernel(token_ids, table):
    ids = token_ids.astype(jnp.int32).reshape(B * SEQ)
    lin = _tc_linearize(table)
    mesh = plsc.VectorSubcoreMesh(
        core_axis_name="c", subcore_axis_name="s", num_cores=NC, num_subcores=NS
    )
    f = pl.kernel(
        _body,
        out_type=jax.ShapeDtypeStruct((B, D), jnp.float32),
        mesh=mesh,
        scratch_types=[
            pltpu.VMEM((TOK,), jnp.int32),
            pltpu.VMEM((TOK,), jnp.int32),
            pltpu.VMEM((TOK, D), jnp.float32),
            pltpu.VMEM((TOK, D), jnp.float32),
            pltpu.VMEM((CHS, D), jnp.float32),
            pltpu.SemaphoreType.DMA,
            pltpu.SemaphoreType.DMA,
        ],
        compiler_params=pltpu.CompilerParams(use_tc_tiling_on_sc=False),
    )
    return f(ids, lin)

# --- scband reference (transcript-rebuilt; emitter-appended) ---
"""Pipeline reference for scband-simple-sentence-encoder-26585847562674 (READ-ONLY COPY).

The authoritative reference and input builder live on the scoring server;
editing this copy changes nothing except your own understanding.
"""

import jax, jax.numpy as jnp
import numpy as np

VOCAB = 1000000
EMBED_DIM = 32
BATCH = 16384
SEQ = 50

def setup_inputs(seed: int = 0) -> dict:
    key = jax.random.key(seed)
    k1, k2 = jax.random.split(key)
    token_ids = jax.random.randint(k1, (BATCH, SEQ), 0, VOCAB, dtype=jnp.int64 if jax.config.jax_enable_x64 else jnp.int32)
    table = jax.random.normal(k2, (VOCAB, EMBED_DIM), dtype=jnp.float32)
    return {"token_ids": token_ids, "table": table}

def reference(token_ids, table):
    # Embedding lookup per token, then mean-pool over the sequence dim
    # (faithful to per-sentence mean of token embeddings in the torch module).
    embeds = jnp.take(table, token_ids, axis=0)  # [B, L, D]
    sent_embed = jnp.mean(embeds, axis=1)        # [B, D]
    return sent_embed

if __name__ == "__main__":
    import jax
    _d = setup_inputs()
    print(jax.jit(kernel)(*tuple(_d.values())))

</pallas_src>

<mosaic_0001>
#map = affine_map<(d0, d1) -> (0)>
#map1 = affine_map<(d0, d1) -> (0, 0)>
module attributes {stable_mosaic.version = 14 : i64} {
  func.func @_body(%arg0: i32, %arg1: i32, %arg2: memref<819200xi32, #tpu.memory_space<hbm>>, %arg3: memref<1007616x32xf32, #tpu.memory_space<hbm>>, %arg4: memref<16384x32xf32, #tpu.memory_space<hbm>>, %arg5: memref<1600xi32, #tpu.memory_space<vmem>>, %arg6: memref<1600xi32, #tpu.memory_space<vmem>>, %arg7: memref<1600x32xf32, #tpu.memory_space<vmem>>, %arg8: memref<1600x32xf32, #tpu.memory_space<vmem>>, %arg9: memref<32x32xf32, #tpu.memory_space<vmem>>, %arg10: memref<!tpu.dma_semaphore, #tpu.memory_space<semaphore_mem>>, %arg11: memref<!tpu.dma_semaphore, #tpu.memory_space<semaphore_mem>>) attributes {dimension_semantics = [#tpu.dimension_semantics<core_parallel>, #tpu.dimension_semantics<subcore_parallel>], iteration_bounds = array<i64: 2, 16>, scalar_prefetch = 0 : i64, scratch_operands = 7 : i64, tpu.core_type = #tpu.core_type<sc_vector_subcore>, window_params = [{transform_indices = #map}, {transform_indices = #map1}, {transform_indices = #map1}]} {
    %mul3A = arith.constant 2 : i32
    %mul3A_0 = arith.muli %arg1, %mul3A : i32
    %add3A = arith.addi %mul3A_0, %arg0 : i32
    %mul3A_1 = arith.constant 25600 : i32
    %mul3A_2 = arith.muli %add3A, %mul3A_1 : i32
    %mul3A_3 = arith.constant 512 : i32
    %mul3A_4 = arith.muli %add3A, %mul3A_3 : i32
    %add3A_5 = arith.constant 0 : i32
    %add3A_6 = arith.addi %mul3A_2, %add3A_5 : i32
    "tpu.region"() ({
      %run_scoped3A = tpu.sem_alloc : memref<!tpu.dma_semaphore, #tpu.memory_space<semaphore_mem>>
      %dma_start3A_20 = tpu.memref_slice %arg2[%add3A_6] : memref<819200xi32, #tpu.memory_space<hbm>> -> memref<1600xi32, #tpu.memory_space<hbm>>
      %dma_start3A_21 = tpu.memref_slice %arg2[%add3A_6] : memref<819200xi32, #tpu.memory_space<hbm>> -> memref<1600xi32, #tpu.memory_space<hbm>>
      tpu.enqueue_dma source(%dma_start3A_21 : memref<1600xi32, #tpu.memory_space<hbm>>) target(%arg5 : memref<1600xi32, #tpu.memory_space<vmem>>) target_semaphore(%run_scoped3A : memref<!tpu.dma_semaphore, #tpu.memory_space<semaphore_mem>>)
      %dma_wait3A = tpu.memref_slice %arg2[%add3A_6] : memref<819200xi32, #tpu.memory_space<hbm>> -> memref<1600xi32, #tpu.memory_space<hbm>>
      %dma_wait3A_22 = tpu.memref_slice %arg2[%add3A_6] : memref<819200xi32, #tpu.memory_space<hbm>> -> memref<1600xi32, #tpu.memory_space<hbm>>
      tpu.wait_dma2 semaphore(%run_scoped3A : memref<!tpu.dma_semaphore, #tpu.memory_space<semaphore_mem>>) src(%dma_wait3A_22 : memref<1600xi32, #tpu.memory_space<hbm>>) dst(%arg5 : memref<1600xi32, #tpu.memory_space<vmem>>)
      tpu.yield
    }) : () -> ()
    %scan3A = arith.constant 0 : i32
    %scan3A_7 = arith.constant 0 : i32
    %scan3A_8 = arith.constant 100 : i32
    %scan3A_9 = arith.addi %scan3A_7, %scan3A_8 : i32
    %scan3A_10 = arith.constant 1 : i32
    scf.for %scan3A_20 = %scan3A_7 to %scan3A_9 step %scan3A_10  : i32 {
      %mul3A_21 = arith.constant 16 : i32
      %mul3A_22 = arith.muli %scan3A_20, %mul3A_21 : i32
      %get3A = arith.index_cast %mul3A_22 : i32 to index
      %get3A_23 = tpu.vector_load %arg5[%get3A] {strides = array<i32>} : memref<1600xi32, #tpu.memory_space<vmem>>, vector<16xi32>,
      %get3A_24 = vector.shape_cast %get3A_23 : vector<16xi32> to vector<16xi32>
      %and3A = arith.constant 8191 : i32
      %and3A_25 = vector.broadcast %and3A : i32 to vector<16xi32>
      %and3A_26 = arith.andi %get3A_24, %and3A_25 : vector<16xi32>
      %and3A_27 = arith.constant -8192 : i32
      %and3A_28 = vector.broadcast %and3A_27 : i32 to vector<16xi32>
      %and3A_29 = arith.andi %get3A_24, %and3A_28 : vector<16xi32>
      %and3A_30 = arith.constant 2047 : i32
      %and3A_31 = vector.broadcast %and3A_30 : i32 to vector<16xi32>
      %and3A_32 = arith.andi %get3A_24, %and3A_31 : vector<16xi32>
      %shift_left3A = arith.constant 2 : i32
      %shift_left3A_33 = vector.broadcast %shift_left3A : i32 to vector<16xi32>
      %shift_left3A_34 = arith.shli %and3A_32, %shift_left3A_33 : vector<16xi32>
      %add3A_35 = arith.addi %and3A_29, %shift_left3A_34 : vector<16xi32>
      %shift_right_logical3A = arith.constant 11 : i32
      %shift_right_logical3A_36 = vector.broadcast %shift_right_logical3A : i32 to vector<16xi32>
      %shift_right_logical3A_37 = arith.shrui %and3A_26, %shift_right_logical3A_36 : vector<16xi32>
      %add3A_38 = arith.addi %add3A_35, %shift_right_logical3A_37 : vector<16xi32>
      %mul3A_39 = arith.constant 16 : i32
      %mul3A_40 = arith.muli %scan3A_20, %mul3A_39 : i32
      %swap3A = arith.index_cast %mul3A_40 : i32 to index
      %swap3A_41 = tpu.vector_load %arg5[%swap3A] {strides = array<i32>} : memref<1600xi32, #tpu.memory_space<vmem>>, vector<16xi32>,
      %swap3A_42 = vector.shape_cast %swap3A_41 : vector<16xi32> to vector<16xi32>
      %swap3A_43 = vector.shape_cast %add3A_38 : vector<16xi32> to vector<16xi32>
      tpu.vector_store %arg5[%swap3A], %swap3A_43 {strides = array<i32>} : memref<1600xi32, #tpu.memory_space<vmem>>, vector<16xi32>,
    }
    %scan3A_11 = arith.constant 100 : i32
    %dma_start3A = arith.constant 0 : i32
    %dma_start3A_12 = arith.constant 0 : i32
    %dma_start3A_13 = tpu.memref_slice %arg3[%dma_start3A, %dma_start3A_12] : memref<1007616x32xf32, #tpu.memory_space<hbm>> -> memref<1007616x32xf32, #tpu.memory_space<hbm>>
    tpu.enqueue_indirect_dma source(%dma_start3A_13 : memref<1007616x32xf32, #tpu.memory_space<hbm>>) target(%arg7 : memref<1600x32xf32, #tpu.memory_space<vmem>>) offsets(%arg5 : memref<1600xi32, #tpu.memory_space<vmem>>) semaphore(%arg10 : memref<!tpu.dma_semaphore, #tpu.memory_space<semaphore_mem>>)
    %scan3A_14 = arith.constant 0 : i32
    %scan3A_15 = arith.constant 0 : i32
    %scan3A_16 = arith.constant 8 : i32
    %scan3A_17 = arith.addi %scan3A_15, %scan3A_16 : i32
    %scan3A_18 = arith.constant 1 : i32
    scf.for %scan3A_20 = %scan3A_15 to %scan3A_17 step %scan3A_18  : i32 {
      %mul3A_21 = arith.constant 2 : i32
      %mul3A_22 = arith.muli %mul3A_21, %scan3A_20 : i32
      %add3A_23 = arith.constant 1 : i32
      %add3A_24 = arith.addi %mul3A_22, %add3A_23 : i32
      %mul3A_25 = arith.constant 1600 : i32
      %mul3A_26 = arith.muli %add3A_24, %mul3A_25 : i32
      %add3A_27 = arith.addi %mul3A_2, %mul3A_26 : i32
      "tpu.region"() ({
        %run_scoped3A = tpu.sem_alloc : memref<!tpu.dma_semaphore, #tpu.memory_space<semaphore_mem>>
        %dma_start3A_64 = tpu.memref_slice %arg2[%add3A_27] : memref<819200xi32, #tpu.memory_space<hbm>> -> memref<1600xi32, #tpu.memory_space<hbm>>
        %dma_start3A_65 = tpu.memref_slice %arg2[%add3A_27] : memref<819200xi32, #tpu.memory_space<hbm>> -> memref<1600xi32, #tpu.memory_space<hbm>>
        tpu.enqueue_dma source(%dma_start3A_65 : memref<1600xi32, #tpu.memory_space<hbm>>) target(%arg6 : memref<1600xi32, #tpu.memory_space<vmem>>) target_semaphore(%run_scoped3A : memref<!tpu.dma_semaphore, #tpu.memory_space<semaphore_mem>>)
        %dma_wait3A_66 = tpu.memref_slice %arg2[%add3A_27] : memref<819200xi32, #tpu.memory_space<hbm>> -> memref<1600xi32, #tpu.memory_space<hbm>>
        %dma_wait3A_67 = tpu.memref_slice %arg2[%add3A_27] : memref<819200xi32, #tpu.memory_space<hbm>> -> memref<1600xi32, #tpu.memory_space<hbm>>
        tpu.wait_dma2 semaphore(%run_scoped3A : memref<!tpu.dma_semaphore, #tpu.memory_space<semaphore_mem>>) src(%dma_wait3A_67 : memref<1600xi32, #tpu.memory_space<hbm>>) dst(%arg6 : memref<1600xi32, #tpu.memory_space<vmem>>)
        tpu.yield
      }) : () -> ()
      %scan3A_28 = arith.constant 0 : i32
      %scan3A_29 = arith.constant 0 : i32
      %scan3A_30 = arith.constant 100 : i32
      %scan3A_31 = arith.addi %scan3A_29, %scan3A_30 : i32
      %scan3A_32 = arith.constant 1 : i32
      scf.for %scan3A_64 = %scan3A_29 to %scan3A_31 step %scan3A_32  : i32 {
        %mul3A_65 = arith.constant 16 : i32
        %mul3A_66 = arith.muli %scan3A_64, %mul3A_65 : i32
        %get3A = arith.index_cast %mul3A_66 : i32 to index
        %get3A_67 = tpu.vector_load %arg6[%get3A] {strides = array<i32>} : memref<1600xi32, #tpu.memory_space<vmem>>, vector<16xi32>,
        %get3A_68 = vector.shape_cast %get3A_67 : vector<16xi32> to vector<16xi32>
        %and3A = arith.constant 8191 : i32
        %and3A_69 = vector.broadcast %and3A : i32 to vector<16xi32>
        %and3A_70 = arith.andi %get3A_68, %and3A_69 : vector<16xi32>
        %and3A_71 = arith.constant -8192 : i32
        %and3A_72 = vector.broadcast %and3A_71 : i32 to vector<16xi32>
        %and3A_73 = arith.andi %get3A_68, %and3A_72 : vector<16xi32>
        %and3A_74 = arith.constant 2047 : i32
        %and3A_75 = vector.broadcast %and3A_74 : i32 to vector<16xi32>
        %and3A_76 = arith.andi %get3A_68, %and3A_75 : vector<16xi32>
        %shift_left3A = arith.constant 2 : i32
        %shift_left3A_77 = vector.broadcast %shift_left3A : i32 to vector<16xi32>
        %shift_left3A_78 = arith.shli %and3A_76, %shift_left3A_77 : vector<16xi32>
        %add3A_79 = arith.addi %and3A_73, %shift_left3A_78 : vector<16xi32>
        %shift_right_logical3A = arith.constant 11 : i32
        %shift_right_logical3A_80 = vector.broadcast %shift_right_logical3A : i32 to vector<16xi32>
        %shift_right_logical3A_81 = arith.shrui %and3A_70, %shift_right_logical3A_80 : vector<16xi32>
        %add3A_82 = arith.addi %add3A_79, %shift_right_logical3A_81 : vector<16xi32>
        %mul3A_83 = arith.constant 16 : i32
        %mul3A_84 = arith.muli %scan3A_64, %mul3A_83 : i32
        %swap3A = arith.index_cast %mul3A_84 : i32 to index
        %swap3A_85 = tpu.vector_load %arg6[%swap3A] {strides = array<i32>} : memref<1600xi32, #tpu.memory_space<vmem>>, vector<16xi32>,
        %swap3A_86 = vector.shape_cast %swap3A_85 : vector<16xi32> to vector<16xi32>
        %swap3A_87 = vector.shape_cast %add3A_82 : vector<16xi32> to vector<16xi32>
        tpu.vector_store %arg6[%swap3A], %swap3A_87 {strides = array<i32>} : memref<1600xi32, #tpu.memory_space<vmem>>, vector<16xi32>,
      }
      %scan3A_33 = arith.constant 100 : i32
      %dma_start3A_34 = arith.constant 0 : i32
      %dma_start3A_35 = arith.constant 0 : i32
      %dma_start3A_36 = tpu.memref_slice %arg3[%dma_start3A_34, %dma_start3A_35] : memref<1007616x32xf32, #tpu.memory_space<hbm>> -> memref<1007616x32xf32, #tpu.memory_space<hbm>>
      tpu.enqueue_indirect_dma source(%dma_start3A_36 : memref<1007616x32xf32, #tpu.memory_space<hbm>>) target(%arg8 : memref<1600x32xf32, #tpu.memory_space<vmem>>) offsets(%arg6 : memref<1600xi32, #tpu.memory_space<vmem>>) semaphore(%arg11 : memref<!tpu.dma_semaphore, #tpu.memory_space<semaphore_mem>>)
      %dma_wait3A = arith.constant 0 : i32
      %dma_wait3A_37 = arith.constant 0 : i32
      %dma_wait3A_38 = tpu.memref_slice %arg3[%dma_wait3A, %dma_wait3A_37] : memref<1007616x32xf32, #tpu.memory_space<hbm>> -> memref<1007616x32xf32, #tpu.memory_space<hbm>>
      tpu.wait_indirect_dma semaphore(%arg10 : memref<!tpu.dma_semaphore, #tpu.memory_space<semaphore_mem>>) src(%dma_wait3A_38 : memref<1007616x32xf32, #tpu.memory_space<hbm>>) dst(%arg7 : memref<1600x32xf32, #tpu.memory_space<vmem>>)
      %scan3A_39 = arith.constant 0 : i32
      %scan3A_40 = arith.constant 0 : i32
      %scan3A_41 = arith.constant 32 : i32
      %scan3A_42 = arith.addi %scan3A_40, %scan3A_41 : i32
      %scan3A_43 = arith.constant 1 : i32
      scf.for %scan3A_64 = %scan3A_40 to %scan3A_42 step %scan3A_43  : i32 {
        %mul3A_65 = arith.constant 50 : i32
        %mul3A_66 = arith.muli %scan3A_64, %mul3A_65 : i32
        %get3A = arith.index_cast %mul3A_66 : i32 to index
        %get3A_67 = arith.constant 0 : index
        %get3A_68 = tpu.vector_load %arg7[%get3A, %get3A_67] {strides = array<i32>} : memref<1600x32xf32, #tpu.memory_space<vmem>>, vector<1x16xf32>,
        %get3A_69 = vector.shape_cast %get3A_68 : vector<1x16xf32> to vector<16xf32>
        %get3A_70 = arith.index_cast %mul3A_66 : i32 to index
        %get3A_71 = arith.constant 16 : index
        %get3A_72 = tpu.vector_load %arg7[%get3A_70, %get3A_71] {strides = array<i32>} : memref<1600x32xf32, #tpu.memory_space<vmem>>, vector<1x16xf32>,
        %get3A_73 = vector.shape_cast %get3A_72 : vector<1x16xf32> to vector<16xf32>
        %add3A_74 = arith.constant 1 : i32
        %add3A_75 = arith.addi %mul3A_66, %add3A_74 : i32
        %get3A_76 = arith.index_cast %add3A_75 : i32 to index
        %get3A_77 = arith.constant 0 : index
        %get3A_78 = tpu.vector_load %arg7[%get3A_76, %get3A_77] {strides = array<i32>} : memref<1600x32xf32, #tpu.memory_space<vmem>>, vector<1x16xf32>,
        %get3A_79 = vector.shape_cast %get3A_78 : vector<1x16xf32> to vector<16xf32>
        %add3A_80 = arith.addf %get3A_69, %get3A_79 : vector<16xf32>
        %add3A_81 = arith.constant 1 : i32
        %add3A_82 = arith.addi %mul3A_66, %add3A_81 : i32
        %get3A_83 = arith.index_cast %add3A_82 : i32 to index
        %get3A_84 = arith.constant 16 : index
        %get3A_85 = tpu.vector_load %arg7[%get3A_83, %get3A_84] {strides = array<i32>} : memref<1600x32xf32, #tpu.memory_space<vmem>>, vector<1x16xf32>,
        %get3A_86 = vector.shape_cast %get3A_85 : vector<1x16xf32> to vector<16xf32>
        %add3A_87 = arith.addf %get3A_73, %get3A_86 : vector<16xf32>
        %add3A_88 = arith.constant 2 : i32
        %add3A_89 = arith.addi %mul3A_66, %add3A_88 : i32
        %get3A_90 = arith.index_cast %add3A_89 : i32 to index
        %get3A_91 = arith.constant 0 : index
        %get3A_92 = tpu.vector_load %arg7[%get3A_90, %get3A_91] {strides = array<i32>} : memref<1600x32xf32, #tpu.memory_space<vmem>>, vector<1x16xf32>,
        %get3A_93 = vector.shape_cast %get3A_92 : vector<1x16xf32> to vector<16xf32>
        %add3A_94 = arith.addf %add3A_80, %get3A_93 : vector<16xf32>
        %add3A_95 = arith.constant 2 : i32
        %add3A_96 = arith.addi %mul3A_66, %add3A_95 : i32
        %get3A_97 = arith.index_cast %add3A_96 : i32 to index
        %get3A_98 = arith.constant 16 : index
        %get3A_99 = tpu.vector_load %arg7[%get3A_97, %get3A_98] {strides = array<i32>} : memref<1600x32xf32, #tpu.memory_space<vmem>>, vector<1x16xf32>,
        %get3A_100 = vector.shape_cast %get3A_99 : vector<1x16xf32> to vector<16xf32>
        %add3A_101 = arith.addf %add3A_87, %get3A_100 : vector<16xf32>
        %add3A_102 = arith.constant 3 : i32
        %add3A_103 = arith.addi %mul3A_66, %add3A_102 : i32
        %get3A_104 = arith.index_cast %add3A_103 : i32 to index
        %get3A_105 = arith.constant 0 : index
        %get3A_106 = tpu.vector_load %arg7[%get3A_104, %get3A_105] {strides = array<i32>} : memref<1600x32xf32, #tpu.memory_space<vmem>>, vector<1x16xf32>,
        %get3A_107 = vector.shape_cast %get3A_106 : vector<1x16xf32> to vector<16xf32>
        %add3A_108 = arith.addf %add3A_94, %get3A_107 : vector<16xf32>
        %add3A_109 = arith.constant 3 : i32
        %add3A_110 = arith.addi %mul3A_66, %add3A_109 : i32
        %get3A_111 = arith.index_cast %add3A_110 : i32 to index
        %get3A_112 = arith.constant 16 : index
        %get3A_113 = tpu.vector_load %arg7[%get3A_111, %get3A_112] {strides = array<i32>} : memref<1600x32xf32, #tpu.memory_space<vmem>>, vector<1x16xf32>,
        %get3A_114 = vector.shape_cast %get3A_113 : vector<1x16xf32> to vector<16xf32>
        %add3A_115 = arith.addf %add3A_101, %get3A_114 : vector<16xf32>
        %add3A_116 = arith.constant 4 : i32
        %add3A_117 = arith.addi %mul3A_66, %add3A_116 : i32
        %get3A_118 = arith.index_cast %add3A_117 : i32 to index
        %get3A_119 = arith.constant 0 : index
        %get3A_120 = tpu.vector_load %arg7[%get3A_118, %get3A_119] {strides = array<i32>} : memref<1600x32xf32, #tpu.memory_space<vmem>>, vector<1x16xf32>,
        %get3A_121 = vector.shape_cast %get3A_120 : vector<1x16xf32> to vector<16xf32>
        %add3A_122 = arith.addf %add3A_108, %get3A_121 : vector<16xf32>
        %add3A_123 = arith.constant 4 : i32
        %add3A_124 = arith.addi %mul3A_66, %add3A_123 : i32
        %get3A_125 = arith.index_cast %add3A_124 : i32 to index
        %get3A_126 = arith.constant 16 : index
        %get3A_127 = tpu.vector_load %arg7[%get3A_125, %get3A_126] {strides = array<i32>} : memref<1600x32xf32, #tpu.memory_space<vmem>>, vector<1x16xf32>,
        %get3A_128 = vector.shape_cast %get3A_127 : vector<1x16xf32> to vector<16xf32>
        %add3A_129 = arith.addf %add3A_115, %get3A_128 : vector<16xf32>
        %add3A_130 = arith.constant 5 : i32
        %add3A_131 = arith.addi %mul3A_66, %add3A_130 : i32
        %get3A_132 = arith.index_cast %add3A_131 : i32 to index
        %get3A_133 = arith.constant 0 : index
        %get3A_134 = tpu.vector_load %arg7[%get3A_132, %get3A_133] {strides = array<i32>} : memref<1600x32xf32, #tpu.memory_space<vmem>>, vector<1x16xf32>,
        %get3A_135 = vector.shape_cast %get3A_134 : vector<1x16xf32> to vector<16xf32>
        %add3A_136 = arith.addf %add3A_122, %get3A_135 : vector<16xf32>
        %add3A_137 = arith.constant 5 : i32
        %add3A_138 = arith.addi %mul3A_66, %add3A_137 : i32
        %get3A_139 = arith.index_cast %add3A_138 : i32 to index
        %get3A_140 = arith.constant 16 : index
        %get3A_141 = tpu.vector_load %arg7[%get3A_139, %get3A_140] {strides = array<i32>} : memref<1600x32xf32, #tpu.memory_space<vmem>>, vector<1x16xf32>,
        %get3A_142 = vector.shape_cast %get3A_141 : vector<1x16xf32> to vector<16xf32>
        %add3A_143 = arith.addf %add3A_129, %get3A_142 : vector<16xf32>
        %add3A_144 = arith.constant 6 : i32
        %add3A_145 = arith.addi %mul3A_66, %add3A_144 : i32
        %get3A_146 = arith.index_cast %add3A_145 : i32 to index
        %get3A_147 = arith.constant 0 : index
        %get3A_148 = tpu.vector_load %arg7[%get3A_146, %get3A_147] {strides = array<i32>} : memref<1600x32xf32, #tpu.memory_space<vmem>>, vector<1x16xf32>,
        %get3A_149 = vector.shape_cast %get3A_148 : vector<1x16xf32> to vector<16xf32>
        %add3A_150 = arith.addf %add3A_136, %get3A_149 : vector<16xf32>
        %add3A_151 = arith.constant 6 : i32
        %add3A_152 = arith.addi %mul3A_66, %add3A_151 : i32
        %get3A_153 = arith.index_cast %add3A_152 : i32 to index
        %get3A_154 = arith.constant 16 : index
        %get3A_155 = tpu.vector_load %arg7[%get3A_153, %get3A_154] {strides = array<i32>} : memref<1600x32xf32, #tpu.memory_space<vmem>>, vector<1x16xf32>,
        %get3A_156 = vector.shape_cast %get3A_155 : vector<1x16xf32> to vector<16xf32>
        %add3A_157 = arith.addf %add3A_143, %get3A_156 : vector<16xf32>
        %add3A_158 = arith.constant 7 : i32
        %add3A_159 = arith.addi %mul3A_66, %add3A_158 : i32
        %get3A_160 = arith.index_cast %add3A_159 : i32 to index
        %get3A_161 = arith.constant 0 : index
        %get3A_162 = tpu.vector_load %arg7[%get3A_160, %get3A_161] {strides = array<i32>} : memref<1600x32xf32, #tpu.memory_space<vmem>>, vector<1x16xf32>,
        %get3A_163 = vector.shape_cast %get3A_162 : vector<1x16xf32> to vector<16xf32>
        %add3A_164 = arith.addf %add3A_150, %get3A_163 : vector<16xf32>
        %add3A_165 = arith.constant 7 : i32
        %add3A_166 = arith.addi %mul3A_66, %add3A_165 : i32
        %get3A_167 = arith.index_cast %add3A_166 : i32 to index
        %get3A_168 = arith.constant 16 : index
        %get3A_169 = tpu.vector_load %arg7[%get3A_167, %get3A_168] {strides = array<i32>} : memref<1600x32xf32, #tpu.memory_space<vmem>>, vector<1x16xf32>,
        %get3A_170 = vector.shape_cast %get3A_169 : vector<1x16xf32> to vector<16xf32>
        %add3A_171 = arith.addf %add3A_157, %get3A_170 : vector<16xf32>
        %add3A_172 = arith.constant 8 : i32
        %add3A_173 = arith.addi %mul3A_66, %add3A_172 : i32
        %get3A_174 = arith.index_cast %add3A_173 : i32 to index
        %get3A_175 = arith.constant 0 : index
        %get3A_176 = tpu.vector_load %arg7[%get3A_174, %get3A_175] {strides = array<i32>} : memref<1600x32xf32, #tpu.memory_space<vmem>>, vector<1x16xf32>,
        %get3A_177 = vector.shape_cast %get3A_176 : vector<1x16xf32> to vector<16xf32>
        %add3A_178 = arith.addf %add3A_164, %get3A_177 : vector<16xf32>
        %add3A_179 = arith.constant 8 : i32
        %add3A_180 = arith.addi %mul3A_66, %add3A_179 : i32
        %get3A_181 = arith.index_cast %add3A_180 : i32 to index
        %get3A_182 = arith.constant 16 : index
        %get3A_183 = tpu.vector_load %arg7[%get3A_181, %get3A_182] {strides = array<i32>} : memref<1600x32xf32, #tpu.memory_space<vmem>>, vector<1x16xf32>,
        %get3A_184 = vector.shape_cast %get3A_183 : vector<1x16xf32> to vector<16xf32>
        %add3A_185 = arith.addf %add3A_171, %get3A_184 : vector<16xf32>
        %add3A_186 = arith.constant 9 : i32
        %add3A_187 = arith.addi %mul3A_66, %add3A_186 : i32
        %get3A_188 = arith.index_cast %add3A_187 : i32 to index
        %get3A_189 = arith.constant 0 : index
        %get3A_190 = tpu.vector_load %arg7[%get3A_188, %get3A_189] {strides = array<i32>} : memref<1600x32xf32, #tpu.memory_space<vmem>>, vector<1x16xf32>,
        %get3A_191 = vector.shape_cast %get3A_190 : vector<1x16xf32> to vector<16xf32>
        %add3A_192 = arith.addf %add3A_178, %get3A_191 : vector<16xf32>
        %add3A_193 = arith.constant 9 : i32
        %add3A_194 = arith.addi %mul3A_66, %add3A_193 : i32
        %get3A_195 = arith.index_cast %add3A_194 : i32 to index
        %get3A_196 = arith.constant 16 : index
        %get3A_197 = tpu.vector_load %arg7[%get3A_195, %get3A_196] {strides = array<i32>} : memref<1600x32xf32, #tpu.memory_space<vmem>>, vector<1x16xf32>,
        %get3A_198 = vector.shape_cast %get3A_197 : vector<1x16xf32> to vector<16xf32>
        %add3A_199 = arith.addf %add3A_185, %get3A_198 : vector<16xf32>
        %add3A_200 = arith.constant 10 : i32
        %add3A_201 = arith.addi %mul3A_66, %add3A_200 : i32
        %get3A_202 = arith.index_cast %add3A_201 : i32 to index
        %get3A_203 = arith.constant 0 : index
        %get3A_204 = tpu.vector_load %arg7[%get3A_202, %get3A_203] {strides = array<i32>} : memref<1600x32xf32, #tpu.memory_space<vmem>>, vector<1x16xf32>,
        %get3A_205 = vector.shape_cast %get3A_204 : vector<1x16xf32> to vector<16xf32>
        %add3A_206 = arith.addf %add3A_192, %get3A_205 : vector<16xf32>
        %add3A_207 = arith.constant 10 : i32
        %add3A_208 = arith.addi %mul3A_66, %add3A_207 : i32
        %get3A_209 = arith.index_cast %add3A_208 : i32 to index
        %get3A_210 = arith.constant 16 : index
        %get3A_211 = tpu.vector_load %arg7[%get3A_209, %get3A_210] {strides = array<i32>} : memref<1600x32xf32, #tpu.memory_space<vmem>>, vector<1x16xf32>,
        %get3A_212 = vector.shape_cast %get3A_211 : vector<1x16xf32> to vector<16xf32>
        %add3A_213 = arith.addf %add3A_199, %get3A_212 : vector<16xf32>
        %add3A_214 = arith.constant 11 : i32
        %add3A_215 = arith.addi %mul3A_66, %add3A_214 : i32
        %get3A_216 = arith.index_cast %add3A_215 : i32 to index
        %get3A_217 = arith.constant 0 : index
        %get3A_218 = tpu.vector_load %arg7[%get3A_216, %get3A_217] {strides = array<i32>} : memref<1600x32xf32, #tpu.memory_space<vmem>>, vector<1x16xf32>,
        %get3A_219 = vector.shape_cast %get3A_218 : vector<1x16xf32> to vector<16xf32>
        %add3A_220 = arith.addf %add3A_206, %get3A_219 : vector<16xf32>
        %add3A_221 = arith.constant 11 : i32
        %add3A_222 = arith.addi %mul3A_66, %add3A_221 : i32
        %get3A_223 = arith.index_cast %add3A_222 : i32 to index
        %get3A_224 = arith.constant 16 : index
        %get3A_225 = tpu.vector_load %arg7[%get3A_223, %get3A_224] {strides = array<i32>} : memref<1600x32xf32, #tpu.memory_space<vmem>>, vector<1x16xf32>,
        %get3A_226 = vector.shape_cast %get3A_225 : vector<1x16xf32> to vector<16xf32>
        %add3A_227 = arith.addf %add3A_213, %get3A_226 : vector<16xf32>
        %add3A_228 = arith.constant 12 : i32
        %add3A_229 = arith.addi %mul3A_66, %add3A_228 : i32
        %get3A_230 = arith.index_cast %add3A_229 : i32 to index
        %get3A_231 = arith.constant 0 : index
        %get3A_232 = tpu.vector_load %arg7[%get3A_230, %get3A_231] {strides = array<i32>} : memref<1600x32xf32, #tpu.memory_space<vmem>>, vector<1x16xf32>,
        %get3A_233 = vector.shape_cast %get3A_232 : vector<1x16xf32> to vector<16xf32>
        %add3A_234 = arith.addf %add3A_220, %get3A_233 : vector<16xf32>
        %add3A_235 = arith.constant 12 : i32
        %add3A_236 = arith.addi %mul3A_66, %add3A_235 : i32
        %get3A_237 = arith.index_cast %add3A_236 : i32 to index
        %get3A_238 = arith.constant 16 : index
        %get3A_239 = tpu.vector_load %arg7[%get3A_237, %get3A_238] {strides = array<i32>} : memref<1600x32xf32, #tpu.memory_space<vmem>>, vector<1x16xf32>,
        %get3A_240 = vector.shape_cast %get3A_239 : vector<1x16xf32> to vector<16xf32>
        %add3A_241 = arith.addf %add3A_227, %get3A_240 : vector<16xf32>
        %add3A_242 = arith.constant 13 : i32
        %add3A_243 = arith.addi %mul3A_66, %add3A_242 : i32
        %get3A_244 = arith.index_cast %add3A_243 : i32 to index
        %get3A_245 = arith.constant 0 : index
        %get3A_246 = tpu.vector_load %arg7[%get3A_244, %get3A_245] {strides = array<i32>} : memref<1600x32xf32, #tpu.memory_space<vmem>>, vector<1x16xf32>,
        %get3A_247 = vector.shape_cast %get3A_246 : vector<1x16xf32> to vector<16xf32>
        %add3A_248 = arith.addf %add3A_234, %get3A_247 : vector<16xf32>
        %add3A_249 = arith.constant 13 : i32
        %add3A_250 = arith.addi %mul3A_66, %add3A_249 : i32
        %get3A_251 = arith.index_cast %add3A_250 : i32 to index
        %get3A_252 = arith.constant 16 : index
        %get3A_253 = tpu.vector_load %arg7[%get3A_251, %get3A_252] {strides = array<i32>} : memref<1600x32xf32, #tpu.memory_space<vmem>>, vector<1x16xf32>,
        %get3A_254 = vector.shape_cast %get3A_253 : vector<1x16xf32> to vector<16xf32>
        %add3A_255 = arith.addf %add3A_241, %get3A_254 : vector<16xf32>
        %add3A_256 = arith.constant 14 : i32
        %add3A_257 = arith.addi %mul3A_66, %add3A_256 : i32
        %get3A_258 = arith.index_cast %add3A_257 : i32 to index
        %get3A_259 = arith.constant 0 : index
        %get3A_260 = tpu.vector_load %arg7[%get3A_258, %get3A_259] {strides = array<i32>} : memref<1600x32xf32, #tpu.memory_space<vmem>>, vector<1x16xf32>,
        %get3A_261 = vector.shape_cast %get3A_260 : vector<1x16xf32> to vector<16xf32>
        %add3A_262 = arith.addf %add3A_248, %get3A_261 : vector<16xf32>
        %add3A_263 = arith.constant 14 : i32
        %add3A_264 = arith.addi %mul3A_66, %add3A_263 : i32
        %get3A_265 = arith.index_cast %add3A_264 : i32 to index
        %get3A_266 = arith.constant 16 : index
        %get3A_267 = tpu.vector_load %arg7[%get3A_265, %get3A_266] {strides = array<i32>} : memref<1600x32xf32, #tpu.memory_space<vmem>>, vector<1x16xf32>,
        %get3A_268 = vector.shape_cast %get3A_267 : vector<1x16xf32> to vector<16xf32>
        %add3A_269 = arith.addf %add3A_255, %get3A_268 : vector<16xf32>
        %add3A_270 = arith.constant 15 : i32
        %add3A_271 = arith.addi %mul3A_66, %add3A_270 : i32
        %get3A_272 = arith.index_cast %add3A_271 : i32 to index
        %get3A_273 = arith.constant 0 : index
        %get3A_274 = tpu.vector_load %arg7[%get3A_272, %get3A_273] {strides = array<i32>} : memref<1600x32xf32, #tpu.memory_space<vmem>>, vector<1x16xf32>,
        %get3A_275 = vector.shape_cast %get3A_274 : vector<1x16xf32> to vector<16xf32>
        %add3A_276 = arith.addf %add3A_262, %get3A_275 : vector<16xf32>
        %add3A_277 = arith.constant 15 : i32
        %add3A_278 = arith.addi %mul3A_66, %add3A_277 : i32
        %get3A_279 = arith.index_cast %add3A_278 : i32 to index
        %get3A_280 = arith.constant 16 : index
        %get3A_281 = tpu.vector_load %arg7[%get3A_279, %get3A_280] {strides = array<i32>} : memref<1600x32xf32, #tpu.memory_space<vmem>>, vector<1x16xf32>,
        %get3A_282 = vector.shape_cast %get3A_281 : vector<1x16xf32> to vector<16xf32>
        %add3A_283 = arith.addf %add3A_269, %get3A_282 : vector<16xf32>
        %add3A_284 = arith.constant 16 : i32
        %add3A_285 = arith.addi %mul3A_66, %add3A_284 : i32
        %get3A_286 = arith.index_cast %add3A_285 : i32 to index
        %get3A_287 = arith.constant 0 : index
        %get3A_288 = tpu.vector_load %arg7[%get3A_286, %get3A_287] {strides = array<i32>} : memref<1600x32xf32, #tpu.memory_space<vmem>>, vector<1x16xf32>,
        %get3A_289 = vector.shape_cast %get3A_288 : vector<1x16xf32> to vector<16xf32>
        %add3A_290 = arith.addf %add3A_276, %get3A_289 : vector<16xf32>
        %add3A_291 = arith.constant 16 : i32
        %add3A_292 = arith.addi %mul3A_66, %add3A_291 : i32
        %get3A_293 = arith.index_cast %add3A_292 : i32 to index
        %get3A_294 = arith.constant 16 : index
        %get3A_295 = tpu.vector_load %arg7[%get3A_293, %get3A_294] {strides = array<i32>} : memref<1600x32xf32, #tpu.memory_space<vmem>>, vector<1x16xf32>,
        %get3A_296 = vector.shape_cast %get3A_295 : vector<1x16xf32> to vector<16xf32>
        %add3A_297 = arith.addf %add3A_283, %get3A_296 : vector<16xf32>
        %add3A_298 = arith.constant 17 : i32
        %add3A_299 = arith.addi %mul3A_66, %add3A_298 : i32
        %get3A_300 = arith.index_cast %add3A_299 : i32 to index
        %get3A_301 = arith.constant 0 : index
        %get3A_302 = tpu.vector_load %arg7[%get3A_300, %get3A_301] {strides = array<i32>} : memref<1600x32xf32, #tpu.memory_space<vmem>>, vector<1x16xf32>,
        %get3A_303 = vector.shape_cast %get3A_302 : vector<1x16xf32> to vector<16xf32>
        %add3A_304 = arith.addf %add3A_290, %get3A_303 : vector<16xf32>
        %add3A_305 = arith.constant 17 : i32
        %add3A_306 = arith.addi %mul3A_66, %add3A_305 : i32
        %get3A_307 = arith.index_cast %add3A_306 : i32 to index
        %get3A_308 = arith.constant 16 : index
        %get3A_309 = tpu.vector_load %arg7[%get3A_307, %get3A_308] {strides = array<i32>} : memref<1600x32xf32, #tpu.memory_space<vmem>>, vector<1x16xf32>,
        %get3A_310 = vector.shape_cast %get3A_309 : vector<1x16xf32> to vector<16xf32>
        %add3A_311 = arith.addf %add3A_297, %get3A_310 : vector<16xf32>
        %add3A_312 = arith.constant 18 : i32
        %add3A_313 = arith.addi %mul3A_66, %add3A_312 : i32
        %get3A_314 = arith.index_cast %add3A_313 : i32 to index
        %get3A_315 = arith.constant 0 : index
        %get3A_316 = tpu.vector_load %arg7[%get3A_314, %get3A_315] {strides = array<i32>} : memref<1600x32xf32, #tpu.memory_space<vmem>>, vector<1x16xf32>,
        %get3A_317 = vector.shape_cast %get3A_316 : vector<1x16xf32> to vector<16xf32>
        %add3A_318 = arith.addf %add3A_304, %get3A_317 : vector<16xf32>
        %add3A_319 = arith.constant 18 : i32
        %add3A_320 = arith.addi %mul3A_66, %add3A_319 : i32
        %get3A_321 = arith.index_cast %add3A_320 : i32 to index
        %get3A_322 = arith.constant 16 : index
        %get3A_323 = tpu.vector_load %arg7[%get3A_321, %get3A_322] {strides = array<i32>} : memref<1600x32xf32, #tpu.memory_space<vmem>>, vector<1x16xf32>,
        %get3A_324 = vector.shape_cast %get3A_323 : vector<1x16xf32> to vector<16xf32>
        %add3A_325 = arith.addf %add3A_311, %get3A_324 : vector<16xf32>
        %add3A_326 = arith.constant 19 : i32
        %add3A_327 = arith.addi %mul3A_66, %add3A_326 : i32
        %get3A_328 = arith.index_cast %add3A_327 : i32 to index
        %get3A_329 = arith.constant 0 : index
        %get3A_330 = tpu.vector_load %arg7[%get3A_328, %get3A_329] {strides = array<i32>} : memref<1600x32xf32, #tpu.memory_space<vmem>>, vector<1x16xf32>,
        %get3A_331 = vector.shape_cast %get3A_330 : vector<1x16xf32> to vector<16xf32>
        %add3A_332 = arith.addf %add3A_318, %get3A_331 : vector<16xf32>
        %add3A_333 = arith.constant 19 : i32
        %add3A_334 = arith.addi %mul3A_66, %add3A_333 : i32
        %get3A_335 = arith.index_cast %add3A_334 : i32 to index
        %get3A_336 = arith.constant 16 : index
        %get3A_337 = tpu.vector_load %arg7[%get3A_335, %get3A_336] {strides = array<i32>} : memref<1600x32xf32, #tpu.memory_space<vmem>>, vector<1x16xf32>,
        %get3A_338 = vector.shape_cast %get3A_337 : vector<1x16xf32> to vector<16xf32>
        %add3A_339 = arith.addf %add3A_325, %get3A_338 : vector<16xf32>
        %add3A_340 = arith.constant 20 : i32
        %add3A_341 = arith.addi %mul3A_66, %add3A_340 : i32
        %get3A_342 = arith.index_cast %add3A_341 : i32 to index
        %get3A_343 = arith.constant 0 : index
        %get3A_344 = tpu.vector_load %arg7[%get3A_342, %get3A_343] {strides = array<i32>} : memref<1600x32xf32, #tpu.memory_space<vmem>>, vector<1x16xf32>,
        %get3A_345 = vector.shape_cast %get3A_344 : vector<1x16xf32> to vector<16xf32>
        %add3A_346 = arith.addf %add3A_332, %get3A_345 : vector<16xf32>
        %add3A_347 = arith.constant 20 : i32
        %add3A_348 = arith.addi %mul3A_66, %add3A_347 : i32
        %get3A_349 = arith.index_cast %add3A_348 : i32 to index
        %get3A_350 = arith.constant 16 : index
        %get3A_351 = tpu.vector_load %arg7[%get3A_349, %get3A_350] {strides = array<i32>} : memref<1600x32xf32, #tpu.memory_space<vmem>>, vector<1x16xf32>,
        %get3A_352 = vector.shape_cast %get3A_351 : vector<1x16xf32> to vector<16xf32>
        %add3A_353 = arith.addf %add3A_339, %get3A_352 : vector<16xf32>
        %add3A_354 = arith.constant 21 : i32
        %add3A_355 = arith.addi %mul3A_66, %add3A_354 : i32
        %get3A_356 = arith.index_cast %add3A_355 : i32 to index
        %get3A_357 = arith.constant 0 : index
        %get3A_358 = tpu.vector_load %arg7[%get3A_356, %get3A_357] {strides = array<i32>} : memref<1600x32xf32, #tpu.memory_space<vmem>>, vector<1x16xf32>,
        %get3A_359 = vector.shape_cast %get3A_358 : vector<1x16xf32> to vector<16xf32>
        %add3A_360 = arith.addf %add3A_346, %get3A_359 : vector<16xf32>
        %add3A_361 = arith.constant 21 : i32
        %add3A_362 = arith.addi %mul3A_66, %add3A_361 : i32
        %get3A_363 = arith.index_cast %add3A_362 : i32 to index
        %get3A_364 = arith.constant 16 : index
        %get3A_365 = tpu.vector_load %arg7[%get3A_363, %get3A_364] {strides = array<i32>} : memref<1600x32xf32, #tpu.memory_space<vmem>>, vector<1x16xf32>,
        %get3A_366 = vector.shape_cast %get3A_365 : vector<1x16xf32> to vector<16xf32>
        %add3A_367 = arith.addf %add3A_353, %get3A_366 : vector<16xf32>
        %add3A_368 = arith.constant 22 : i32
        %add3A_369 = arith.addi %mul3A_66, %add3A_368 : i32
        %get3A_370 = arith.index_cast %add3A_369 : i32 to index
        %get3A_371 = arith.constant 0 : index
        %get3A_372 = tpu.vector_load %arg7[%get3A_370, %get3A_371] {strides = array<i32>} : memref<1600x32xf32, #tpu.memory_space<vmem>>, vector<1x16xf32>,
        %get3A_373 = vector.shape_cast %get3A_372 : vector<1x16xf32> to vector<16xf32>
        %add3A_374 = arith.addf %add3A_360, %get3A_373 : vector<16xf32>
        %add3A_375 = arith.constant 22 : i32
        %add3A_376 = arith.addi %mul3A_66, %add3A_375 : i32
        %get3A_377 = arith.index_cast %add3A_376 : i32 to index
        %get3A_378 = arith.constant 16 : index
        %get3A_379 = tpu.vector_load %arg7[%get3A_377, %get3A_378] {strides = array<i32>} : memref<1600x32xf32, #tpu.memory_space<vmem>>, vector<1x16xf32>,
        %get3A_380 = vector.shape_cast %get3A_379 : vector<1x16xf32> to vector<16xf32>
        %add3A_381 = arith.addf %add3A_367, %get3A_380 : vector<16xf32>
        %add3A_382 = arith.constant 23 : i32
        %add3A_383 = arith.addi %mul3A_66, %add3A_382 : i32
        %get3A_384 = arith.index_cast %add3A_383 : i32 to index
        %get3A_385 = arith.constant 0 : index
        %get3A_386 = tpu.vector_load %arg7[%get3A_384, %get3A_385] {strides = array<i32>} : memref<1600x32xf32, #tpu.memory_space<vmem>>, vector<1x16xf32>,
        %get3A_387 = vector.shape_cast %get3A_386 : vector<1x16xf32> to vector<16xf32>
        %add3A_388 = arith.addf %add3A_374, %get3A_387 : vector<16xf32>
        %add3A_389 = arith.constant 23 : i32
        %add3A_390 = arith.addi %mul3A_66, %add3A_389 : i32
        %get3A_391 = arith.index_cast %add3A_390 : i32 to index
        %get3A_392 = arith.constant 16 : index
        %get3A_393 = tpu.vector_load %arg7[%get3A_391, %get3A_392] {strides = array<i32>} : memref<1600x32xf32, #tpu.memory_space<vmem>>, vector<1x16xf32>,
        %get3A_394 = vector.shape_cast %get3A_393 : vector<1x16xf32> to vector<16xf32>
        %add3A_395 = arith.addf %add3A_381, %get3A_394 : vector<16xf32>
        %add3A_396 = arith.constant 24 : i32
        %add3A_397 = arith.addi %mul3A_66, %add3A_396 : i32
        %get3A_398 = arith.index_cast %add3A_397 : i32 to index
        %get3A_399 = arith.constant 0 : index
        %get3A_400 = tpu.vector_load %arg7[%get3A_398, %get3A_399] {strides = array<i32>} : memref<1600x32xf32, #tpu.memory_space<vmem>>, vector<1x16xf32>,
        %get3A_401 = vector.shape_cast %get3A_400 : vector<1x16xf32> to vector<16xf32>
        %add3A_402 = arith.addf %add3A_388, %get3A_401 : vector<16xf32>
        %add3A_403 = arith.constant 24 : i32
        %add3A_404 = arith.addi %mul3A_66, %add3A_403 : i32
        %get3A_405 = arith.index_cast %add3A_404 : i32 to index
        %get3A_406 = arith.constant 16 : index
        %get3A_407 = tpu.vector_load %arg7[%get3A_405, %get3A_406] {strides = array<i32>} : memref<1600x32xf32, #tpu.memory_space<vmem>>, vector<1x16xf32>,
        %get3A_408 = vector.shape_cast %get3A_407 : vector<1x16xf32> to vector<16xf32>
        %add3A_409 = arith.addf %add3A_395, %get3A_408 : vector<16xf32>
        %add3A_410 = arith.constant 25 : i32
        %add3A_411 = arith.addi %mul3A_66, %add3A_410 : i32
        %get3A_412 = arith.index_cast %add3A_411 : i32 to index
        %get3A_413 = arith.constant 0 : index
        %get3A_414 = tpu.vector_load %arg7[%get3A_412, %get3A_413] {strides = array<i32>} : memref<1600x32xf32, #tpu.memory_space<vmem>>, vector<1x16xf32>,
        %get3A_415 = vector.shape_cast %get3A_414 : vector<1x16xf32> to vector<16xf32>
        %add3A_416 = arith.addf %add3A_402, %get3A_415 : vector<16xf32>
        %add3A_417 = arith.constant 25 : i32
        %add3A_418 = arith.addi %mul3A_66, %add3A_417 : i32
        %get3A_419 = arith.index_cast %add3A_418 : i32 to index
        %get3A_420 = arith.constant 16 : index
        %get3A_421 = tpu.vector_load %arg7[%get3A_419, %get3A_420] {strides = array<i32>} : memref<1600x32xf32, #tpu.memory_space<vmem>>, vector<1x16xf32>,
        %get3A_422 = vector.shape_cast %get3A_421 : vector<1x16xf32> to vector<16xf32>
        %add3A_423 = arith.addf %add3A_409, %get3A_422 : vector<16xf32>
        %add3A_424 = arith.constant 26 : i32
        %add3A_425 = arith.addi %mul3A_66, %add3A_424 : i32
        %get3A_426 = arith.index_cast %add3A_425 : i32 to index
        %get3A_427 = arith.constant 0 : index
        %get3A_428 = tpu.vector_load %arg7[%get3A_426, %get3A_427] {strides = array<i32>} : memref<1600x32xf32, #tpu.memory_space<vmem>>, vector<1x16xf32>,
        %get3A_429 = vector.shape_cast %get3A_428 : vector<1x16xf32> to vector<16xf32>
        %add3A_430 = arith.addf %add3A_416, %get3A_429 : vector<16xf32>
        %add3A_431 = arith.constant 26 : i32
        %add3A_432 = arith.addi %mul3A_66, %add3A_431 : i32
        %get3A_433 = arith.index_cast %add3A_432 : i32 to index
        %get3A_434 = arith.constant 16 : index
        %get3A_435 = tpu.vector_load %arg7[%get3A_433, %get3A_434] {strides = array<i32>} : memref<1600x32xf32, #tpu.memory_space<vmem>>, vector<1x16xf32>,
        %get3A_436 = vector.shape_cast %get3A_435 : vector<1x16xf32> to vector<16xf32>
        %add3A_437 = arith.addf %add3A_423, %get3A_436 : vector<16xf32>
        %add3A_438 = arith.constant 27 : i32
        %add3A_439 = arith.addi %mul3A_66, %add3A_438 : i32
        %get3A_440 = arith.index_cast %add3A_439 : i32 to index
        %get3A_441 = arith.constant 0 : index
        %get3A_442 = tpu.vector_load %arg7[%get3A_440, %get3A_441] {strides = array<i32>} : memref<1600x32xf32, #tpu.memory_space<vmem>>, vector<1x16xf32>,
        %get3A_443 = vector.shape_cast %get3A_442 : vector<1x16xf32> to vector<16xf32>
        %add3A_444 = arith.addf %add3A_430, %get3A_443 : vector<16xf32>
        %add3A_445 = arith.constant 27 : i32
        %add3A_446 = arith.addi %mul3A_66, %add3A_445 : i32
        %get3A_447 = arith.index_cast %add3A_446 : i32 to index
        %get3A_448 = arith.constant 16 : index
        %get3A_449 = tpu.vector_load %arg7[%get3A_447, %get3A_448] {strides = array<i32>} : memref<1600x32xf32, #tpu.memory_space<vmem>>, vector<1x16xf32>,
        %get3A_450 = vector.shape_cast %get3A_449 : vector<1x16xf32> to vector<16xf32>
        %add3A_451 = arith.addf %add3A_437, %get3A_450 : vector<16xf32>
        %add3A_452 = arith.constant 28 : i32
        %add3A_453 = arith.addi %mul3A_66, %add3A_452 : i32
        %get3A_454 = arith.index_cast %add3A_453 : i32 to index
        %get3A_455 = arith.constant 0 : index
        %get3A_456 = tpu.vector_load %arg7[%get3A_454, %get3A_455] {strides = array<i32>} : memref<1600x32xf32, #tpu.memory_space<vmem>>, vector<1x16xf32>,
        %get3A_457 = vector.shape_cast %get3A_456 : vector<1x16xf32> to vector<16xf32>
        %add3A_458 = arith.addf %add3A_444, %get3A_457 : vector<16xf32>
        %add3A_459 = arith.constant 28 : i32
        %add3A_460 = arith.addi %mul3A_66, %add3A_459 : i32
        %get3A_461 = arith.index_cast %add3A_460 : i32 to index
        %get3A_462 = arith.constant 16 : index
        %get3A_463 = tpu.vector_load %arg7[%get3A_461, %get3A_462] {strides = array<i32>} : memref<1600x32xf32, #tpu.memory_space<vmem>>, vector<1x16xf32>,
        %get3A_464 = vector.shape_cast %get3A_463 : vector<1x16xf32> to vector<16xf32>
        %add3A_465 = arith.addf %add3A_451, %get3A_464 : vector<16xf32>
        %add3A_466 = arith.constant 29 : i32
        %add3A_467 = arith.addi %mul3A_66, %add3A_466 : i32
        %get3A_468 = arith.index_cast %add3A_467 : i32 to index
        %get3A_469 = arith.constant 0 : index
        %get3A_470 = tpu.vector_load %arg7[%get3A_468, %get3A_469] {strides = array<i32>} : memref<1600x32xf32, #tpu.memory_space<vmem>>, vector<1x16xf32>,
        %get3A_471 = vector.shape_cast %get3A_470 : vector<1x16xf32> to vector<16xf32>
        %add3A_472 = arith.addf %add3A_458, %get3A_471 : vector<16xf32>
        %add3A_473 = arith.constant 29 : i32
        %add3A_474 = arith.addi %mul3A_66, %add3A_473 : i32
        %get3A_475 = arith.index_cast %add3A_474 : i32 to index
        %get3A_476 = arith.constant 16 : index
        %get3A_477 = tpu.vector_load %arg7[%get3A_475, %get3A_476] {strides = array<i32>} : memref<1600x32xf32, #tpu.memory_space<vmem>>, vector<1x16xf32>,
        %get3A_478 = vector.shape_cast %get3A_477 : vector<1x16xf32> to vector<16xf32>
        %add3A_479 = arith.addf %add3A_465, %get3A_478 : vector<16xf32>
        %add3A_480 = arith.constant 30 : i32
        %add3A_481 = arith.addi %mul3A_66, %add3A_480 : i32
        %get3A_482 = arith.index_cast %add3A_481 : i32 to index
        %get3A_483 = arith.constant 0 : index
        %get3A_484 = tpu.vector_load %arg7[%get3A_482, %get3A_483] {strides = array<i32>} : memref<1600x32xf32, #tpu.memory_space<vmem>>, vector<1x16xf32>,
        %get3A_485 = vector.shape_cast %get3A_484 : vector<1x16xf32> to vector<16xf32>
        %add3A_486 = arith.addf %add3A_472, %get3A_485 : vector<16xf32>
        %add3A_487 = arith.constant 30 : i32
        %add3A_488 = arith.addi %mul3A_66, %add3A_487 : i32
        %get3A_489 = arith.index_cast %add3A_488 : i32 to index
        %get3A_490 = arith.constant 16 : index
        %get3A_491 = tpu.vector_load %arg7[%get3A_489, %get3A_490] {strides = array<i32>} : memref<1600x32xf32, #tpu.memory_space<vmem>>, vector<1x16xf32>,
        %get3A_492 = vector.shape_cast %get3A_491 : vector<1x16xf32> to vector<16xf32>
        %add3A_493 = arith.addf %add3A_479, %get3A_492 : vector<16xf32>
        %add3A_494 = arith.constant 31 : i32
        %add3A_495 = arith.addi %mul3A_66, %add3A_494 : i32
        %get3A_496 = arith.index_cast %add3A_495 : i32 to index
        %get3A_497 = arith.constant 0 : index
        %get3A_498 = tpu.vector_load %arg7[%get3A_496, %get3A_497] {strides = array<i32>} : memref<1600x32xf32, #tpu.memory_space<vmem>>, vector<1x16xf32>,
        %get3A_499 = vector.shape_cast %get3A_498 : vector<1x16xf32> to vector<16xf32>
        %add3A_500 = arith.addf %add3A_486, %get3A_499 : vector<16xf32>
        %add3A_501 = arith.constant 31 : i32
        %add3A_502 = arith.addi %mul3A_66, %add3A_501 : i32
        %get3A_503 = arith.index_cast %add3A_502 : i32 to index
        %get3A_504 = arith.constant 16 : index
        %get3A_505 = tpu.vector_load %arg7[%get3A_503, %get3A_504] {strides = array<i32>} : memref<1600x32xf32, #tpu.memory_space<vmem>>, vector<1x16xf32>,
        %get3A_506 = vector.shape_cast %get3A_505 : vector<1x16xf32> to vector<16xf32>
        %add3A_507 = arith.addf %add3A_493, %get3A_506 : vector<16xf32>
        %add3A_508 = arith.constant 32 : i32
        %add3A_509 = arith.addi %mul3A_66, %add3A_508 : i32
        %get3A_510 = arith.index_cast %add3A_509 : i32 to index
        %get3A_511 = arith.constant 0 : index
        %get3A_512 = tpu.vector_load %arg7[%get3A_510, %get3A_511] {strides = array<i32>} : memref<1600x32xf32, #tpu.memory_space<vmem>>, vector<1x16xf32>,
        %get3A_513 = vector.shape_cast %get3A_512 : vector<1x16xf32> to vector<16xf32>
        %add3A_514 = arith.addf %add3A_500, %get3A_513 : vector<16xf32>
        %add3A_515 = arith.constant 32 : i32
        %add3A_516 = arith.addi %mul3A_66, %add3A_515 : i32
        %get3A_517 = arith.index_cast %add3A_516 : i32 to index
        %get3A_518 = arith.constant 16 : index
        %get3A_519 = tpu.vector_load %arg7[%get3A_517, %get3A_518] {strides = array<i32>} : memref<1600x32xf32, #tpu.memory_space<vmem>>, vector<1x16xf32>,
        %get3A_520 = vector.shape_cast %get3A_519 : vector<1x16xf32> to vector<16xf32>
        %add3A_521 = arith.addf %add3A_507, %get3A_520 : vector<16xf32>
        %add3A_522 = arith.constant 33 : i32
        %add3A_523 = arith.addi %mul3A_66, %add3A_522 : i32
        %get3A_524 = arith.index_cast %add3A_523 : i32 to index
        %get3A_525 = arith.constant 0 : index
        %get3A_526 = tpu.vector_load %arg7[%get3A_524, %get3A_525] {strides = array<i32>} : memref<1600x32xf32, #tpu.memory_space<vmem>>, vector<1x16xf32>,
        %get3A_527 = vector.shape_cast %get3A_526 : vector<1x16xf32> to vector<16xf32>
        %add3A_528 = arith.addf %add3A_514, %get3A_527 : vector<16xf32>
        %add3A_529 = arith.constant 33 : i32
        %add3A_530 = arith.addi %mul3A_66, %add3A_529 : i32
        %get3A_531 = arith.index_cast %add3A_530 : i32 to index
        %get3A_532 = arith.constant 16 : index
        %get3A_533 = tpu.vector_load %arg7[%get3A_531, %get3A_532] {strides = array<i32>} : memref<1600x32xf32, #tpu.memory_space<vmem>>, vector<1x16xf32>,
        %get3A_534 = vector.shape_cast %get3A_533 : vector<1x16xf32> to vector<16xf32>
        %add3A_535 = arith.addf %add3A_521, %get3A_534 : vector<16xf32>
        %add3A_536 = arith.constant 34 : i32
        %add3A_537 = arith.addi %mul3A_66, %add3A_536 : i32
        %get3A_538 = arith.index_cast %add3A_537 : i32 to index
        %get3A_539 = arith.constant 0 : index
        %get3A_540 = tpu.vector_load %arg7[%get3A_538, %get3A_539] {strides = array<i32>} : memref<1600x32xf32, #tpu.memory_space<vmem>>, vector<1x16xf32>,
        %get3A_541 = vector.shape_cast %get3A_540 : vector<1x16xf32> to vector<16xf32>
        %add3A_542 = arith.addf %add3A_528, %get3A_541 : vector<16xf32>
        %add3A_543 = arith.constant 34 : i32
        %add3A_544 = arith.addi %mul3A_66, %add3A_543 : i32
        %get3A_545 = arith.index_cast %add3A_544 : i32 to index
        %get3A_546 = arith.constant 16 : index
        %get3A_547 = tpu.vector_load %arg7[%get3A_545, %get3A_546] {strides = array<i32>} : memref<1600x32xf32, #tpu.memory_space<vmem>>, vector<1x16xf32>,
        %get3A_548 = vector.shape_cast %get3A_547 : vector<1x16xf32> to vector<16xf32>
        %add3A_549 = arith.addf %add3A_535, %get3A_548 : vector<16xf32>
        %add3A_550 = arith.constant 35 : i32
        %add3A_551 = arith.addi %mul3A_66, %add3A_550 : i32
        %get3A_552 = arith.index_cast %add3A_551 : i32 to index
        %get3A_553 = arith.constant 0 : index
        %get3A_554 = tpu.vector_load %arg7[%get3A_552, %get3A_553] {strides = array<i32>} : memref<1600x32xf32, #tpu.memory_space<vmem>>, vector<1x16xf32>,
        %get3A_555 = vector.shape_cast %get3A_554 : vector<1x16xf32> to vector<16xf32>
        %add3A_556 = arith.addf %add3A_542, %get3A_555 : vector<16xf32>
        %add3A_557 = arith.constant 35 : i32
        %add3A_558 = arith.addi %mul3A_66, %add3A_557 : i32
        %get3A_559 = arith.index_cast %add3A_558 : i32 to index
        %get3A_560 = arith.constant 16 : index
        %get3A_561 = tpu.vector_load %arg7[%get3A_559, %get3A_560] {strides = array<i32>} : memref<1600x32xf32, #tpu.memory_space<vmem>>, vector<1x16xf32>,
        %get3A_562 = vector.shape_cast %get3A_561 : vector<1x16xf32> to vector<16xf32>
        %add3A_563 = arith.addf %add3A_549, %get3A_562 : vector<16xf32>
        %add3A_564 = arith.constant 36 : i32
        %add3A_565 = arith.addi %mul3A_66, %add3A_564 : i32
        %get3A_566 = arith.index_cast %add3A_565 : i32 to index
        %get3A_567 = arith.constant 0 : index
        %get3A_568 = tpu.vector_load %arg7[%get3A_566, %get3A_567] {strides = array<i32>} : memref<1600x32xf32, #tpu.memory_space<vmem>>, vector<1x16xf32>,
        %get3A_569 = vector.shape_cast %get3A_568 : vector<1x16xf32> to vector<16xf32>
        %add3A_570 = arith.addf %add3A_556, %get3A_569 : vector<16xf32>
        %add3A_571 = arith.constant 36 : i32
        %add3A_572 = arith.addi %mul3A_66, %add3A_571 : i32
        %get3A_573 = arith.index_cast %add3A_572 : i32 to index
        %get3A_574 = arith.constant 16 : index
        %get3A_575 = tpu.vector_load %arg7[%get3A_573, %get3A_574] {strides = array<i32>} : memref<1600x32xf32, #tpu.memory_space<vmem>>, vector<1x16xf32>,
        %get3A_576 = vector.shape_cast %get3A_575 : vector<1x16xf32> to vector<16xf32>
        %add3A_577 = arith.addf %add3A_563, %get3A_576 : vector<16xf32>
        %add3A_578 = arith.constant 37 : i32
        %add3A_579 = arith.addi %mul3A_66, %add3A_578 : i32
        %get3A_580 = arith.index_cast %add3A_579 : i32 to index
        %get3A_581 = arith.constant 0 : index
        %get3A_582 = tpu.vector_load %arg7[%get3A_580, %get3A_581] {strides = array<i32>} : memref<1600x32xf32, #tpu.memory_space<vmem>>, vector<1x16xf32>,
        %get3A_583 = vector.shape_cast %get3A_582 : vector<1x16xf32> to vector<16xf32>
        %add3A_584 = arith.addf %add3A_570, %get3A_583 : vector<16xf32>
        %add3A_585 = arith.constant 37 : i32
        %add3A_586 = arith.addi %mul3A_66, %add3A_585 : i32
        %get3A_587 = arith.index_cast %add3A_586 : i32 to index
        %get3A_588 = arith.constant 16 : index
        %get3A_589 = tpu.vector_load %arg7[%get3A_587, %get3A_588] {strides = array<i32>} : memref<1600x32xf32, #tpu.memory_space<vmem>>, vector<1x16xf32>,
        %get3A_590 = vector.shape_cast %get3A_589 : vector<1x16xf32> to vector<16xf32>
        %add3A_591 = arith.addf %add3A_577, %get3A_590 : vector<16xf32>
        %add3A_592 = arith.constant 38 : i32
        %add3A_593 = arith.addi %mul3A_66, %add3A_592 : i32
        %get3A_594 = arith.index_cast %add3A_593 : i32 to index
        %get3A_595 = arith.constant 0 : index
        %get3A_596 = tpu.vector_load %arg7[%get3A_594, %get3A_595] {strides = array<i32>} : memref<1600x32xf32, #tpu.memory_space<vmem>>, vector<1x16xf32>,
        %get3A_597 = vector.shape_cast %get3A_596 : vector<1x16xf32> to vector<16xf32>
        %add3A_598 = arith.addf %add3A_584, %get3A_597 : vector<16xf32>
        %add3A_599 = arith.constant 38 : i32
        %add3A_600 = arith.addi %mul3A_66, %add3A_599 : i32
        %get3A_601 = arith.index_cast %add3A_600 : i32 to index
        %get3A_602 = arith.constant 16 : index
        %get3A_603 = tpu.vector_load %arg7[%get3A_601, %get3A_602] {strides = array<i32>} : memref<1600x32xf32, #tpu.memory_space<vmem>>, vector<1x16xf32>,
        %get3A_604 = vector.shape_cast %get3A_603 : vector<1x16xf32> to vector<16xf32>
        %add3A_605 = arith.addf %add3A_591, %get3A_604 : vector<16xf32>
        %add3A_606 = arith.constant 39 : i32
        %add3A_607 = arith.addi %mul3A_66, %add3A_606 : i32
        %get3A_608 = arith.index_cast %add3A_607 : i32 to index
        %get3A_609 = arith.constant 0 : index
        %get3A_610 = tpu.vector_load %arg7[%get3A_608, %get3A_609] {strides = array<i32>} : memref<1600x32xf32, #tpu.memory_space<vmem>>, vector<1x16xf32>,
        %get3A_611 = vector.shape_cast %get3A_610 : vector<1x16xf32> to vector<16xf32>
        %add3A_612 = arith.addf %add3A_598, %get3A_611 : vector<16xf32>
        %add3A_613 = arith.constant 39 : i32
        %add3A_614 = arith.addi %mul3A_66, %add3A_613 : i32
        %get3A_615 = arith.index_cast %add3A_614 : i32 to index
        %get3A_616 = arith.constant 16 : index
        %get3A_617 = tpu.vector_load %arg7[%get3A_615, %get3A_616] {strides = array<i32>} : memref<1600x32xf32, #tpu.memory_space<vmem>>, vector<1x16xf32>,
        %get3A_618 = vector.shape_cast %get3A_617 : vector<1x16xf32> to vector<16xf32>
        %add3A_619 = arith.addf %add3A_605, %get3A_618 : vector<16xf32>
        %add3A_620 = arith.constant 40 : i32
        %add3A_621 = arith.addi %mul3A_66, %add3A_620 : i32
        %get3A_622 = arith.index_cast %add3A_621 : i32 to index
        %get3A_623 = arith.constant 0 : index
        %get3A_624 = tpu.vector_load %arg7[%get3A_622, %get3A_623] {strides = array<i32>} : memref<1600x32xf32, #tpu.memory_space<vmem>>, vector<1x16xf32>,
        %get3A_625 = vector.shape_cast %get3A_624 : vector<1x16xf32> to vector<16xf32>
        %add3A_626 = arith.addf %add3A_612, %get3A_625 : vector<16xf32>
        %add3A_627 = arith.constant 40 : i32
        %add3A_628 = arith.addi %mul3A_66, %add3A_627 : i32
        %get3A_629 = arith.index_cast %add3A_628 : i32 to index
        %get3A_630 = arith.constant 16 : index
        %get3A_631 = tpu.vector_load %arg7[%get3A_629, %get3A_630] {strides = array<i32>} : memref<1600x32xf32, #tpu.memory_space<vmem>>, vector<1x16xf32>,
        %get3A_632 = vector.shape_cast %get3A_631 : vector<1x16xf32> to vector<16xf32>
        %add3A_633 = arith.addf %add3A_619, %get3A_632 : vector<16xf32>
        %add3A_634 = arith.constant 41 : i32
        %add3A_635 = arith.addi %mul3A_66, %add3A_634 : i32
        %get3A_636 = arith.index_cast %add3A_635 : i32 to index
        %get3A_637 = arith.constant 0 : index
        %get3A_638 = tpu.vector_load %arg7[%get3A_636, %get3A_637] {strides = array<i32>} : memref<1600x32xf32, #tpu.memory_space<vmem>>, vector<1x16xf32>,
        %get3A_639 = vector.shape_cast %get3A_638 : vector<1x16xf32> to vector<16xf32>
        %add3A_640 = arith.addf %add3A_626, %get3A_639 : vector<16xf32>
        %add3A_641 = arith.constant 41 : i32
        %add3A_642 = arith.addi %mul3A_66, %add3A_641 : i32
        %get3A_643 = arith.index_cast %add3A_642 : i32 to index
        %get3A_644 = arith.constant 16 : index
        %get3A_645 = tpu.vector_load %arg7[%get3A_643, %get3A_644] {strides = array<i32>} : memref<1600x32xf32, #tpu.memory_space<vmem>>, vector<1x16xf32>,
        %get3A_646 = vector.shape_cast %get3A_645 : vector<1x16xf32> to vector<16xf32>
        %add3A_647 = arith.addf %add3A_633, %get3A_646 : vector<16xf32>
        %add3A_648 = arith.constant 42 : i32
        %add3A_649 = arith.addi %mul3A_66, %add3A_648 : i32
        %get3A_650 = arith.index_cast %add3A_649 : i32 to index
        %get3A_651 = arith.constant 0 : index
        %get3A_652 = tpu.vector_load %arg7[%get3A_650, %get3A_651] {strides = array<i32>} : memref<1600x32xf32, #tpu.memory_space<vmem>>, vector<1x16xf32>,
        %get3A_653 = vector.shape_cast %get3A_652 : vector<1x16xf32> to vector<16xf32>
        %add3A_654 = arith.addf %add3A_640, %get3A_653 : vector<16xf32>
        %add3A_655 = arith.constant 42 : i32
        %add3A_656 = arith.addi %mul3A_66, %add3A_655 : i32
        %get3A_657 = arith.index_cast %add3A_656 : i32 to index
        %get3A_658 = arith.constant 16 : index
        %get3A_659 = tpu.vector_load %arg7[%get3A_657, %get3A_658] {strides = array<i32>} : memref<1600x32xf32, #tpu.memory_space<vmem>>, vector<1x16xf32>,
        %get3A_660 = vector.shape_cast %get3A_659 : vector<1x16xf32> to vector<16xf32>
        %add3A_661 = arith.addf %add3A_647, %get3A_660 : vector<16xf32>
        %add3A_662 = arith.constant 43 : i32
        %add3A_663 = arith.addi %mul3A_66, %add3A_662 : i32
        %get3A_664 = arith.index_cast %add3A_663 : i32 to index
        %get3A_665 = arith.constant 0 : index
        %get3A_666 = tpu.vector_load %arg7[%get3A_664, %get3A_665] {strides = array<i32>} : memref<1600x32xf32, #tpu.memory_space<vmem>>, vector<1x16xf32>,
        %get3A_667 = vector.shape_cast %get3A_666 : vector<1x16xf32> to vector<16xf32>
        %add3A_668 = arith.addf %add3A_654, %get3A_667 : vector<16xf32>
        %add3A_669 = arith.constant 43 : i32
        %add3A_670 = arith.addi %mul3A_66, %add3A_669 : i32
        %get3A_671 = arith.index_cast %add3A_670 : i32 to index
        %get3A_672 = arith.constant 16 : index
        %get3A_673 = tpu.vector_load %arg7[%get3A_671, %get3A_672] {strides = array<i32>} : memref<1600x32xf32, #tpu.memory_space<vmem>>, vector<1x16xf32>,
        %get3A_674 = vector.shape_cast %get3A_673 : vector<1x16xf32> to vector<16xf32>
        %add3A_675 = arith.addf %add3A_661, %get3A_674 : vector<16xf32>
        %add3A_676 = arith.constant 44 : i32
        %add3A_677 = arith.addi %mul3A_66, %add3A_676 : i32
        %get3A_678 = arith.index_cast %add3A_677 : i32 to index
        %get3A_679 = arith.constant 0 : index
        %get3A_680 = tpu.vector_load %arg7[%get3A_678, %get3A_679] {strides = array<i32>} : memref<1600x32xf32, #tpu.memory_space<vmem>>, vector<1x16xf32>,
        %get3A_681 = vector.shape_cast %get3A_680 : vector<1x16xf32> to vector<16xf32>
        %add3A_682 = arith.addf %add3A_668, %get3A_681 : vector<16xf32>
        %add3A_683 = arith.constant 44 : i32
        %add3A_684 = arith.addi %mul3A_66, %add3A_683 : i32
        %get3A_685 = arith.index_cast %add3A_684 : i32 to index
        %get3A_686 = arith.constant 16 : index
        %get3A_687 = tpu.vector_load %arg7[%get3A_685, %get3A_686] {strides = array<i32>} : memref<1600x32xf32, #tpu.memory_space<vmem>>, vector<1x16xf32>,
        %get3A_688 = vector.shape_cast %get3A_687 : vector<1x16xf32> to vector<16xf32>
        %add3A_689 = arith.addf %add3A_675, %get3A_688 : vector<16xf32>
        %add3A_690 = arith.constant 45 : i32
        %add3A_691 = arith.addi %mul3A_66, %add3A_690 : i32
        %get3A_692 = arith.index_cast %add3A_691 : i32 to index
        %get3A_693 = arith.constant 0 : index
        %get3A_694 = tpu.vector_load %arg7[%get3A_692, %get3A_693] {strides = array<i32>} : memref<1600x32xf32, #tpu.memory_space<vmem>>, vector<1x16xf32>,
        %get3A_695 = vector.shape_cast %get3A_694 : vector<1x16xf32> to vector<16xf32>
        %add3A_696 = arith.addf %add3A_682, %get3A_695 : vector<16xf32>
        %add3A_697 = arith.constant 45 : i32
        %add3A_698 = arith.addi %mul3A_66, %add3A_697 : i32
        %get3A_699 = arith.index_cast %add3A_698 : i32 to index
        %get3A_700 = arith.constant 16 : index
        %get3A_701 = tpu.vector_load %arg7[%get3A_699, %get3A_700] {strides = array<i32>} : memref<1600x32xf32, #tpu.memory_space<vmem>>, vector<1x16xf32>,
        %get3A_702 = vector.shape_cast %get3A_701 : vector<1x16xf32> to vector<16xf32>
        %add3A_703 = arith.addf %add3A_689, %get3A_702 : vector<16xf32>
        %add3A_704 = arith.constant 46 : i32
        %add3A_705 = arith.addi %mul3A_66, %add3A_704 : i32
        %get3A_706 = arith.index_cast %add3A_705 : i32 to index
        %get3A_707 = arith.constant 0 : index
        %get3A_708 = tpu.vector_load %arg7[%get3A_706, %get3A_707] {strides = array<i32>} : memref<1600x32xf32, #tpu.memory_space<vmem>>, vector<1x16xf32>,
        %get3A_709 = vector.shape_cast %get3A_708 : vector<1x16xf32> to vector<16xf32>
        %add3A_710 = arith.addf %add3A_696, %get3A_709 : vector<16xf32>
        %add3A_711 = arith.constant 46 : i32
        %add3A_712 = arith.addi %mul3A_66, %add3A_711 : i32
        %get3A_713 = arith.index_cast %add3A_712 : i32 to index
        %get3A_714 = arith.constant 16 : index
        %get3A_715 = tpu.vector_load %arg7[%get3A_713, %get3A_714] {strides = array<i32>} : memref<1600x32xf32, #tpu.memory_space<vmem>>, vector<1x16xf32>,
        %get3A_716 = vector.shape_cast %get3A_715 : vector<1x16xf32> to vector<16xf32>
        %add3A_717 = arith.addf %add3A_703, %get3A_716 : vector<16xf32>
        %add3A_718 = arith.constant 47 : i32
        %add3A_719 = arith.addi %mul3A_66, %add3A_718 : i32
        %get3A_720 = arith.index_cast %add3A_719 : i32 to index
        %get3A_721 = arith.constant 0 : index
        %get3A_722 = tpu.vector_load %arg7[%get3A_720, %get3A_721] {strides = array<i32>} : memref<1600x32xf32, #tpu.memory_space<vmem>>, vector<1x16xf32>,
        %get3A_723 = vector.shape_cast %get3A_722 : vector<1x16xf32> to vector<16xf32>
        %add3A_724 = arith.addf %add3A_710, %get3A_723 : vector<16xf32>
        %add3A_725 = arith.constant 47 : i32
        %add3A_726 = arith.addi %mul3A_66, %add3A_725 : i32
        %get3A_727 = arith.index_cast %add3A_726 : i32 to index
        %get3A_728 = arith.constant 16 : index
        %get3A_729 = tpu.vector_load %arg7[%get3A_727, %get3A_728] {strides = array<i32>} : memref<1600x32xf32, #tpu.memory_space<vmem>>, vector<1x16xf32>,
        %get3A_730 = vector.shape_cast %get3A_729 : vector<1x16xf32> to vector<16xf32>
        %add3A_731 = arith.addf %add3A_717, %get3A_730 : vector<16xf32>
        %add3A_732 = arith.constant 48 : i32
        %add3A_733 = arith.addi %mul3A_66, %add3A_732 : i32
        %get3A_734 = arith.index_cast %add3A_733 : i32 to index
        %get3A_735 = arith.constant 0 : index
        %get3A_736 = tpu.vector_load %arg7[%get3A_734, %get3A_735] {strides = array<i32>} : memref<1600x32xf32, #tpu.memory_space<vmem>>, vector<1x16xf32>,
        %get3A_737 = vector.shape_cast %get3A_736 : vector<1x16xf32> to vector<16xf32>
        %add3A_738 = arith.addf %add3A_724, %get3A_737 : vector<16xf32>
        %add3A_739 = arith.constant 48 : i32
        %add3A_740 = arith.addi %mul3A_66, %add3A_739 : i32
        %get3A_741 = arith.index_cast %add3A_740 : i32 to index
        %get3A_742 = arith.constant 16 : index
        %get3A_743 = tpu.vector_load %arg7[%get3A_741, %get3A_742] {strides = array<i32>} : memref<1600x32xf32, #tpu.memory_space<vmem>>, vector<1x16xf32>,
        %get3A_744 = vector.shape_cast %get3A_743 : vector<1x16xf32> to vector<16xf32>
        %add3A_745 = arith.addf %add3A_731, %get3A_744 : vector<16xf32>
        %add3A_746 = arith.constant 49 : i32
        %add3A_747 = arith.addi %mul3A_66, %add3A_746 : i32
        %get3A_748 = arith.index_cast %add3A_747 : i32 to index
        %get3A_749 = arith.constant 0 : index
        %get3A_750 = tpu.vector_load %arg7[%get3A_748, %get3A_749] {strides = array<i32>} : memref<1600x32xf32, #tpu.memory_space<vmem>>, vector<1x16xf32>,
        %get3A_751 = vector.shape_cast %get3A_750 : vector<1x16xf32> to vector<16xf32>
        %add3A_752 = arith.addf %add3A_738, %get3A_751 : vector<16xf32>
        %add3A_753 = arith.constant 49 : i32
        %add3A_754 = arith.addi %mul3A_66, %add3A_753 : i32
        %get3A_755 = arith.index_cast %add3A_754 : i32 to index
        %get3A_756 = arith.constant 16 : index
        %get3A_757 = tpu.vector_load %arg7[%get3A_755, %get3A_756] {strides = array<i32>} : memref<1600x32xf32, #tpu.memory_space<vmem>>, vector<1x16xf32>,
        %get3A_758 = vector.shape_cast %get3A_757 : vector<1x16xf32> to vector<16xf32>
        %add3A_759 = arith.addf %add3A_745, %get3A_758 : vector<16xf32>
        %mul3A_760 = arith.constant 2.000000e-02 : f32
        %mul3A_761 = vector.broadcast %mul3A_760 : f32 to vector<16xf32>
        %mul3A_762 = arith.mulf %add3A_752, %mul3A_761 : vector<16xf32>
        %swap3A = arith.index_cast %scan3A_64 : i32 to index
        %swap3A_763 = arith.constant 0 : index
        %swap3A_764 = tpu.vector_load %arg9[%swap3A, %swap3A_763] {strides = array<i32>} : memref<32x32xf32, #tpu.memory_space<vmem>>, vector<1x16xf32>,
        %swap3A_765 = vector.shape_cast %swap3A_764 : vector<1x16xf32> to vector<16xf32>
        %swap3A_766 = vector.shape_cast %mul3A_762 : vector<16xf32> to vector<1x16xf32>
        tpu.vector_store %arg9[%swap3A, %swap3A_763], %swap3A_766 {strides = array<i32>} : memref<32x32xf32, #tpu.memory_space<vmem>>, vector<1x16xf32>,
        %mul3A_767 = arith.constant 2.000000e-02 : f32
        %mul3A_768 = vector.broadcast %mul3A_767 : f32 to vector<16xf32>
        %mul3A_769 = arith.mulf %add3A_759, %mul3A_768 : vector<16xf32>
        %swap3A_770 = arith.index_cast %scan3A_64 : i32 to index
        %swap3A_771 = arith.constant 16 : index
        %swap3A_772 = tpu.vector_load %arg9[%swap3A_770, %swap3A_771] {strides = array<i32>} : memref<32x32xf32, #tpu.memory_space<vmem>>, vector<1x16xf32>,
        %swap3A_773 = vector.shape_cast %swap3A_772 : vector<1x16xf32> to vector<16xf32>
        %swap3A_774 = vector.shape_cast %mul3A_769 : vector<16xf32> to vector<1x16xf32>
        tpu.vector_store %arg9[%swap3A_770, %swap3A_771], %swap3A_774 {strides = array<i32>} : memref<32x32xf32, #tpu.memory_space<vmem>>, vector<1x16xf32>,
      }
      %scan3A_44 = arith.constant 32 : i32
      %mul3A_45 = arith.constant 32 : i32
      %mul3A_46 = arith.muli %mul3A_22, %mul3A_45 : i32
      %add3A_47 = arith.addi %mul3A_4, %mul3A_46 : i32
      "tpu.region"() ({
        %run_scoped3A = tpu.sem_alloc : memref<!tpu.dma_semaphore, #tpu.memory_space<semaphore_mem>>
        %dma_start3A_64 = arith.constant 0 : i32
        %dma_start3A_65 = tpu.memref_slice %arg4[%add3A_47, %dma_start3A_64] : memref<16384x32xf32, #tpu.memory_space<hbm>> -> memref<32x32xf32, #tpu.memory_space<hbm>>
        %dma_start3A_66 = arith.constant 0 : i32
        %dma_start3A_67 = tpu.memref_slice %arg4[%add3A_47, %dma_start3A_66] : memref<16384x32xf32, #tpu.memory_space<hbm>> -> memref<32x32xf32, #tpu.memory_space<hbm>>
        tpu.enqueue_dma source(%arg9 : memref<32x32xf32, #tpu.memory_space<vmem>>) target(%dma_start3A_67 : memref<32x32xf32, #tpu.memory_space<hbm>>) target_semaphore(%run_scoped3A : memref<!tpu.dma_semaphore, #tpu.memory_space<semaphore_mem>>)
        %dma_wait3A_68 = arith.constant 0 : i32
        %dma_wait3A_69 = tpu.memref_slice %arg4[%add3A_47, %dma_wait3A_68] : memref<16384x32xf32, #tpu.memory_space<hbm>> -> memref<32x32xf32, #tpu.memory_space<hbm>>
        %dma_wait3A_70 = arith.constant 0 : i32
        %dma_wait3A_71 = tpu.memref_slice %arg4[%add3A_47, %dma_wait3A_70] : memref<16384x32xf32, #tpu.memory_space<hbm>> -> memref<32x32xf32, #tpu.memory_space<hbm>>
        tpu.wait_dma2 semaphore(%run_scoped3A : memref<!tpu.dma_semaphore, #tpu.memory_space<semaphore_mem>>) src(%arg9 : memref<32x32xf32, #tpu.memory_space<vmem>>) dst(%dma_wait3A_71 : memref<32x32xf32, #tpu.memory_space<hbm>>)
        tpu.yield
      }) : () -> ()
      %add3A_48 = arith.constant 1 : i32
      %add3A_49 = arith.addi %add3A_24, %add3A_48 : i32
      %lt3A = arith.constant 16 : i32
      %lt3A_50 = arith.cmpi slt, %add3A_49, %lt3A : i32
      %convert_element_type3A = arith.extui %lt3A_50 : i1 to i32
      %cond3A = arith.constant 0 : i32
      %cond3A_51 = arith.cmpi ne, %convert_element_type3A, %cond3A : i32
      scf.if %cond3A_51 {
        %add3A_64 = arith.constant 1 : i32
        %add3A_65 = arith.addi %add3A_24, %add3A_64 : i32
        %mul3A_66 = arith.constant 1600 : i32
        %mul3A_67 = arith.muli %add3A_65, %mul3A_66 : i32
        %add3A_68 = arith.addi %mul3A_2, %mul3A_67 : i32
        "tpu.region"() ({
          %run_scoped3A = tpu.sem_alloc : memref<!tpu.dma_semaphore, #tpu.memory_space<semaphore_mem>>
          %dma_start3A_78 = tpu.memref_slice %arg2[%add3A_68] : memref<819200xi32, #tpu.memory_space<hbm>> -> memref<1600xi32, #tpu.memory_space<hbm>>
          %dma_start3A_79 = tpu.memref_slice %arg2[%add3A_68] : memref<819200xi32, #tpu.memory_space<hbm>> -> memref<1600xi32, #tpu.memory_space<hbm>>
          tpu.enqueue_dma source(%dma_start3A_79 : memref<1600xi32, #tpu.memory_space<hbm>>) target(%arg5 : memref<1600xi32, #tpu.memory_space<vmem>>) target_semaphore(%run_scoped3A : memref<!tpu.dma_semaphore, #tpu.memory_space<semaphore_mem>>)
          %dma_wait3A_80 = tpu.memref_slice %arg2[%add3A_68] : memref<819200xi32, #tpu.memory_space<hbm>> -> memref<1600xi32, #tpu.memory_space<hbm>>
          %dma_wait3A_81 = tpu.memref_slice %arg2[%add3A_68] : memref<819200xi32, #tpu.memory_space<hbm>> -> memref<1600xi32, #tpu.memory_space<hbm>>
          tpu.wait_dma2 semaphore(%run_scoped3A : memref<!tpu.dma_semaphore, #tpu.memory_space<semaphore_mem>>) src(%dma_wait3A_81 : memref<1600xi32, #tpu.memory_space<hbm>>) dst(%arg5 : memref<1600xi32, #tpu.memory_space<vmem>>)
          tpu.yield
        }) : () -> ()
        %scan3A_69 = arith.constant 0 : i32
        %scan3A_70 = arith.constant 0 : i32
        %scan3A_71 = arith.constant 100 : i32
        %scan3A_72 = arith.addi %scan3A_70, %scan3A_71 : i32
        %scan3A_73 = arith.constant 1 : i32
        scf.for %scan3A_78 = %scan3A_70 to %scan3A_72 step %scan3A_73  : i32 {
          %mul3A_79 = arith.constant 16 : i32
          %mul3A_80 = arith.muli %scan3A_78, %mul3A_79 : i32
          %get3A = arith.index_cast %mul3A_80 : i32 to index
          %get3A_81 = tpu.vector_load %arg5[%get3A] {strides = array<i32>} : memref<1600xi32, #tpu.memory_space<vmem>>, vector<16xi32>,
          %get3A_82 = vector.shape_cast %get3A_81 : vector<16xi32> to vector<16xi32>
          %and3A = arith.constant 8191 : i32
          %and3A_83 = vector.broadcast %and3A : i32 to vector<16xi32>
          %and3A_84 = arith.andi %get3A_82, %and3A_83 : vector<16xi32>
          %and3A_85 = arith.constant -8192 : i32
          %and3A_86 = vector.broadcast %and3A_85 : i32 to vector<16xi32>
          %and3A_87 = arith.andi %get3A_82, %and3A_86 : vector<16xi32>
          %and3A_88 = arith.constant 2047 : i32
          %and3A_89 = vector.broadcast %and3A_88 : i32 to vector<16xi32>
          %and3A_90 = arith.andi %get3A_82, %and3A_89 : vector<16xi32>
          %shift_left3A = arith.constant 2 : i32
          %shift_left3A_91 = vector.broadcast %shift_left3A : i32 to vector<16xi32>
          %shift_left3A_92 = arith.shli %and3A_90, %shift_left3A_91 : vector<16xi32>
          %add3A_93 = arith.addi %and3A_87, %shift_left3A_92 : vector<16xi32>
          %shift_right_logical3A = arith.constant 11 : i32
          %shift_right_logical3A_94 = vector.broadcast %shift_right_logical3A : i32 to vector<16xi32>
          %shift_right_logical3A_95 = arith.shrui %and3A_84, %shift_right_logical3A_94 : vector<16xi32>
          %add3A_96 = arith.addi %add3A_93, %shift_right_logical3A_95 : vector<16xi32>
          %mul3A_97 = arith.constant 16 : i32
          %mul3A_98 = arith.muli %scan3A_78, %mul3A_97 : i32
          %swap3A = arith.index_cast %mul3A_98 : i32 to index
          %swap3A_99 = tpu.vector_load %arg5[%swap3A] {strides = array<i32>} : memref<1600xi32, #tpu.memory_space<vmem>>, vector<16xi32>,
          %swap3A_100 = vector.shape_cast %swap3A_99 : vector<16xi32> to vector<16xi32>
          %swap3A_101 = vector.shape_cast %add3A_96 : vector<16xi32> to vector<16xi32>
          tpu.vector_store %arg5[%swap3A], %swap3A_101 {strides = array<i32>} : memref<1600xi32, #tpu.memory_space<vmem>>, vector<16xi32>,
        }
        %scan3A_74 = arith.constant 100 : i32
        %dma_start3A_75 = arith.constant 0 : i32
        %dma_start3A_76 = arith.constant 0 : i32
        %dma_start3A_77 = tpu.memref_slice %arg3[%dma_start3A_75, %dma_start3A_76] : memref<1007616x32xf32, #tpu.memory_space<hbm>> -> memref<1007616x32xf32, #tpu.memory_space<hbm>>
        tpu.enqueue_indirect_dma source(%dma_start3A_77 : memref<1007616x32xf32, #tpu.memory_space<hbm>>) target(%arg7 : memref<1600x32xf32, #tpu.memory_space<vmem>>) offsets(%arg5 : memref<1600xi32, #tpu.memory_space<vmem>>) semaphore(%arg10 : memref<!tpu.dma_semaphore, #tpu.memory_space<semaphore_mem>>)
      } else {
      }
      %dma_wait3A_52 = arith.constant 0 : i32
      %dma_wait3A_53 = arith.constant 0 : i32
      %dma_wait3A_54 = tpu.memref_slice %arg3[%dma_wait3A_52, %dma_wait3A_53] : memref<1007616x32xf32, #tpu.memory_space<hbm>> -> memref<1007616x32xf32, #tpu.memory_space<hbm>>
      tpu.wait_indirect_dma semaphore(%arg11 : memref<!tpu.dma_semaphore, #tpu.memory_space<semaphore_mem>>) src(%dma_wait3A_54 : memref<1007616x32xf32, #tpu.memory_space<hbm>>) dst(%arg8 : memref<1600x32xf32, #tpu.memory_space<vmem>>)
      %scan3A_55 = arith.constant 0 : i32
      %scan3A_56 = arith.constant 0 : i32
      %scan3A_57 = arith.constant 32 : i32
      %scan3A_58 = arith.addi %scan3A_56, %scan3A_57 : i32
      %scan3A_59 = arith.constant 1 : i32
      scf.for %scan3A_64 = %scan3A_56 to %scan3A_58 step %scan3A_59  : i32 {
        %mul3A_65 = arith.constant 50 : i32
        %mul3A_66 = arith.muli %scan3A_64, %mul3A_65 : i32
        %get3A = arith.index_cast %mul3A_66 : i32 to index
        %get3A_67 = arith.constant 0 : index
        %get3A_68 = tpu.vector_load %arg8[%get3A, %get3A_67] {strides = array<i32>} : memref<1600x32xf32, #tpu.memory_space<vmem>>, vector<1x16xf32>,
        %get3A_69 = vector.shape_cast %get3A_68 : vector<1x16xf32> to vector<16xf32>
        %get3A_70 = arith.index_cast %mul3A_66 : i32 to index
        %get3A_71 = arith.constant 16 : index
        %get3A_72 = tpu.vector_load %arg8[%get3A_70, %get3A_71] {strides = array<i32>} : memref<1600x32xf32, #tpu.memory_space<vmem>>, vector<1x16xf32>,
        %get3A_73 = vector.shape_cast %get3A_72 : vector<1x16xf32> to vector<16xf32>
        %add3A_74 = arith.constant 1 : i32
        %add3A_75 = arith.addi %mul3A_66, %add3A_74 : i32
        %get3A_76 = arith.index_cast %add3A_75 : i32 to index
        %get3A_77 = arith.constant 0 : index
        %get3A_78 = tpu.vector_load %arg8[%get3A_76, %get3A_77] {strides = array<i32>} : memref<1600x32xf32, #tpu.memory_space<vmem>>, vector<1x16xf32>,
        %get3A_79 = vector.shape_cast %get3A_78 : vector<1x16xf32> to vector<16xf32>
        %add3A_80 = arith.addf %get3A_69, %get3A_79 : vector<16xf32>
        %add3A_81 = arith.constant 1 : i32
        %add3A_82 = arith.addi %mul3A_66, %add3A_81 : i32
        %get3A_83 = arith.index_cast %add3A_82 : i32 to index
        %get3A_84 = arith.constant 16 : index
        %get3A_85 = tpu.vector_load %arg8[%get3A_83, %get3A_84] {strides = array<i32>} : memref<1600x32xf32, #tpu.memory_space<vmem>>, vector<1x16xf32>,
        %get3A_86 = vector.shape_cast %get3A_85 : vector<1x16xf32> to vector<16xf32>
        %add3A_87 = arith.addf %get3A_73, %get3A_86 : vector<16xf32>
        %add3A_88 = arith.constant 2 : i32
        %add3A_89 = arith.addi %mul3A_66, %add3A_88 : i32
        %get3A_90 = arith.index_cast %add3A_89 : i32 to index
        %get3A_91 = arith.constant 0 : index
        %get3A_92 = tpu.vector_load %arg8[%get3A_90, %get3A_91] {strides = array<i32>} : memref<1600x32xf32, #tpu.memory_space<vmem>>, vector<1x16xf32>,
        %get3A_93 = vector.shape_cast %get3A_92 : vector<1x16xf32> to vector<16xf32>
        %add3A_94 = arith.addf %add3A_80, %get3A_93 : vector<16xf32>
        %add3A_95 = arith.constant 2 : i32
        %add3A_96 = arith.addi %mul3A_66, %add3A_95 : i32
        %get3A_97 = arith.index_cast %add3A_96 : i32 to index
        %get3A_98 = arith.constant 16 : index
        %get3A_99 = tpu.vector_load %arg8[%get3A_97, %get3A_98] {strides = array<i32>} : memref<1600x32xf32, #tpu.memory_space<vmem>>, vector<1x16xf32>,
        %get3A_100 = vector.shape_cast %get3A_99 : vector<1x16xf32> to vector<16xf32>
        %add3A_101 = arith.addf %add3A_87, %get3A_100 : vector<16xf32>
        %add3A_102 = arith.constant 3 : i32
        %add3A_103 = arith.addi %mul3A_66, %add3A_102 : i32
        %get3A_104 = arith.index_cast %add3A_103 : i32 to index
        %get3A_105 = arith.constant 0 : index
        %get3A_106 = tpu.vector_load %arg8[%get3A_104, %get3A_105] {strides = array<i32>} : memref<1600x32xf32, #tpu.memory_space<vmem>>, vector<1x16xf32>,
        %get3A_107 = vector.shape_cast %get3A_106 : vector<1x16xf32> to vector<16xf32>
        %add3A_108 = arith.addf %add3A_94, %get3A_107 : vector<16xf32>
        %add3A_109 = arith.constant 3 : i32
        %add3A_110 = arith.addi %mul3A_66, %add3A_109 : i32
        %get3A_111 = arith.index_cast %add3A_110 : i32 to index
        %get3A_112 = arith.constant 16 : index
        %get3A_113 = tpu.vector_load %arg8[%get3A_111, %get3A_112] {strides = array<i32>} : memref<1600x32xf32, #tpu.memory_space<vmem>>, vector<1x16xf32>,
        %get3A_114 = vector.shape_cast %get3A_113 : vector<1x16xf32> to vector<16xf32>
        %add3A_115 = arith.addf %add3A_101, %get3A_114 : vector<16xf32>
        %add3A_116 = arith.constant 4 : i32
        %add3A_117 = arith.addi %mul3A_66, %add3A_116 : i32
        %get3A_118 = arith.index_cast %add3A_117 : i32 to index
        %get3A_119 = arith.constant 0 : index
        %get3A_120 = tpu.vector_load %arg8[%get3A_118, %get3A_119] {strides = array<i32>} : memref<1600x32xf32, #tpu.memory_space<vmem>>, vector<1x16xf32>,
        %get3A_121 = vector.shape_cast %get3A_120 : vector<1x16xf32> to vector<16xf32>
        %add3A_122 = arith.addf %add3A_108, %get3A_121 : vector<16xf32>
        %add3A_123 = arith.constant 4 : i32
        %add3A_124 = arith.addi %mul3A_66, %add3A_123 : i32
        %get3A_125 = arith.index_cast %add3A_124 : i32 to index
        %get3A_126 = arith.constant 16 : index
        %get3A_127 = tpu.vector_load %arg8[%get3A_125, %get3A_126] {strides = array<i32>} : memref<1600x32xf32, #tpu.memory_space<vmem>>, vector<1x16xf32>,
        %get3A_128 = vector.shape_cast %get3A_127 : vector<1x16xf32> to vector<16xf32>
        %add3A_129 = arith.addf %add3A_115, %get3A_128 : vector<16xf32>
        %add3A_130 = arith.constant 5 : i32
        %add3A_131 = arith.addi %mul3A_66, %add3A_130 : i32
        %get3A_132 = arith.index_cast %add3A_131 : i32 to index
        %get3A_133 = arith.constant 0 : index
        %get3A_134 = tpu.vector_load %arg8[%get3A_132, %get3A_133] {strides = array<i32>} : memref<1600x32xf32, #tpu.memory_space<vmem>>, vector<1x16xf32>,
        %get3A_135 = vector.shape_cast %get3A_134 : vector<1x16xf32> to vector<16xf32>
        %add3A_136 = arith.addf %add3A_122, %get3A_135 : vector<16xf32>
        %add3A_137 = arith.constant 5 : i32
        %add3A_138 = arith.addi %mul3A_66, %add3A_137 : i32
        %get3A_139 = arith.index_cast %add3A_138 : i32 to index
        %get3A_140 = arith.constant 16 : index
        %get3A_141 = tpu.vector_load %arg8[%get3A_139, %get3A_140] {strides = array<i32>} : memref<1600x32xf32, #tpu.memory_space<vmem>>, vector<1x16xf32>,
        %get3A_142 = vector.shape_cast %get3A_141 : vector<1x16xf32> to vector<16xf32>
        %add3A_143 = arith.addf %add3A_129, %get3A_142 : vector<16xf32>
        %add3A_144 = arith.constant 6 : i32
        %add3A_145 = arith.addi %mul3A_66, %add3A_144 : i32
        %get3A_146 = arith.index_cast %add3A_145 : i32 to index
        %get3A_147 = arith.constant 0 : index
        %get3A_148 = tpu.vector_load %arg8[%get3A_146, %get3A_147] {strides = array<i32>} : memref<1600x32xf32, #tpu.memory_space<vmem>>, vector<1x16xf32>,
        %get3A_149 = vector.shape_cast %get3A_148 : vector<1x16xf32> to vector<16xf32>
        %add3A_150 = arith.addf %add3A_136, %get3A_149 : vector<16xf32>
        %add3A_151 = arith.constant 6 : i32
        %add3A_152 = arith.addi %mul3A_66, %add3A_151 : i32
        %get3A_153 = arith.index_cast %add3A_152 : i32 to index
        %get3A_154 = arith.constant 16 : index
        %get3A_155 = tpu.vector_load %arg8[%get3A_153, %get3A_154] {strides = array<i32>} : memref<1600x32xf32, #tpu.memory_space<vmem>>, vector<1x16xf32>,
        %get3A_156 = vector.shape_cast %get3A_155 : vector<1x16xf32> to vector<16xf32>
        %add3A_157 = arith.addf %add3A_143, %get3A_156 : vector<16xf32>
        %add3A_158 = arith.constant 7 : i32
        %add3A_159 = arith.addi %mul3A_66, %add3A_158 : i32
        %get3A_160 = arith.index_cast %add3A_159 : i32 to index
        %get3A_161 = arith.constant 0 : index
        %get3A_162 = tpu.vector_load %arg8[%get3A_160, %get3A_161] {strides = array<i32>} : memref<1600x32xf32, #tpu.memory_space<vmem>>, vector<1x16xf32>,
        %get3A_163 = vector.shape_cast %get3A_162 : vector<1x16xf32> to vector<16xf32>
        %add3A_164 = arith.addf %add3A_150, %get3A_163 : vector<16xf32>
        %add3A_165 = arith.constant 7 : i32
        %add3A_166 = arith.addi %mul3A_66, %add3A_165 : i32
        %get3A_167 = arith.index_cast %add3A_166 : i32 to index
        %get3A_168 = arith.constant 16 : index
        %get3A_169 = tpu.vector_load %arg8[%get3A_167, %get3A_168] {strides = array<i32>} : memref<1600x32xf32, #tpu.memory_space<vmem>>, vector<1x16xf32>,
        %get3A_170 = vector.shape_cast %get3A_169 : vector<1x16xf32> to vector<16xf32>
        %add3A_171 = arith.addf %add3A_157, %get3A_170 : vector<16xf32>
        %add3A_172 = arith.constant 8 : i32
        %add3A_173 = arith.addi %mul3A_66, %add3A_172 : i32
        %get3A_174 = arith.index_cast %add3A_173 : i32 to index
        %get3A_175 = arith.constant 0 : index
        %get3A_176 = tpu.vector_load %arg8[%get3A_174, %get3A_175] {strides = array<i32>} : memref<1600x32xf32, #tpu.memory_space<vmem>>, vector<1x16xf32>,
        %get3A_177 = vector.shape_cast %get3A_176 : vector<1x16xf32> to vector<16xf32>
        %add3A_178 = arith.addf %add3A_164, %get3A_177 : vector<16xf32>
        %add3A_179 = arith.constant 8 : i32
        %add3A_180 = arith.addi %mul3A_66, %add3A_179 : i32
        %get3A_181 = arith.index_cast %add3A_180 : i32 to index
        %get3A_182 = arith.constant 16 : index
        %get3A_183 = tpu.vector_load %arg8[%get3A_181, %get3A_182] {strides = array<i32>} : memref<1600x32xf32, #tpu.memory_space<vmem>>, vector<1x16xf32>,
        %get3A_184 = vector.shape_cast %get3A_183 : vector<1x16xf32> to vector<16xf32>
        %add3A_185 = arith.addf %add3A_171, %get3A_184 : vector<16xf32>
        %add3A_186 = arith.constant 9 : i32
        %add3A_187 = arith.addi %mul3A_66, %add3A_186 : i32
        %get3A_188 = arith.index_cast %add3A_187 : i32 to index
        %get3A_189 = arith.constant 0 : index
        %get3A_190 = tpu.vector_load %arg8[%get3A_188, %get3A_189] {strides = array<i32>} : memref<1600x32xf32, #tpu.memory_space<vmem>>, vector<1x16xf32>,
        %get3A_191 = vector.shape_cast %get3A_190 : vector<1x16xf32> to vector<16xf32>
        %add3A_192 = arith.addf %add3A_178, %get3A_191 : vector<16xf32>
        %add3A_193 = arith.constant 9 : i32
        %add3A_194 = arith.addi %mul3A_66, %add3A_193 : i32
        %get3A_195 = arith.index_cast %add3A_194 : i32 to index
        %get3A_196 = arith.constant 16 : index
        %get3A_197 = tpu.vector_load %arg8[%get3A_195, %get3A_196] {strides = array<i32>} : memref<1600x32xf32, #tpu.memory_space<vmem>>, vector<1x16xf32>,
        %get3A_198 = vector.shape_cast %get3A_197 : vector<1x16xf32> to vector<16xf32>
        %add3A_199 = arith.addf %add3A_185, %get3A_198 : vector<16xf32>
        %add3A_200 = arith.constant 10 : i32
        %add3A_201 = arith.addi %mul3A_66, %add3A_200 : i32
        %get3A_202 = arith.index_cast %add3A_201 : i32 to index
        %get3A_203 = arith.constant 0 : index
        %get3A_204 = tpu.vector_load %arg8[%get3A_202, %get3A_203] {strides = array<i32>} : memref<1600x32xf32, #tpu.memory_space<vmem>>, vector<1x16xf32>,
        %get3A_205 = vector.shape_cast %get3A_204 : vector<1x16xf32> to vector<16xf32>
        %add3A_206 = arith.addf %add3A_192, %get3A_205 : vector<16xf32>
        %add3A_207 = arith.constant 10 : i32
        %add3A_208 = arith.addi %mul3A_66, %add3A_207 : i32
        %get3A_209 = arith.index_cast %add3A_208 : i32 to index
        %get3A_210 = arith.constant 16 : index
        %get3A_211 = tpu.vector_load %arg8[%get3A_209, %get3A_210] {strides = array<i32>} : memref<1600x32xf32, #tpu.memory_space<vmem>>, vector<1x16xf32>,
        %get3A_212 = vector.shape_cast %get3A_211 : vector<1x16xf32> to vector<16xf32>
        %add3A_213 = arith.addf %add3A_199, %get3A_212 : vector<16xf32>
        %add3A_214 = arith.constant 11 : i32
        %add3A_215 = arith.addi %mul3A_66, %add3A_214 : i32
        %get3A_216 = arith.index_cast %add3A_215 : i32 to index
        %get3A_217 = arith.constant 0 : index
        %get3A_218 = tpu.vector_load %arg8[%get3A_216, %get3A_217] {strides = array<i32>} : memref<1600x32xf32, #tpu.memory_space<vmem>>, vector<1x16xf32>,
        %get3A_219 = vector.shape_cast %get3A_218 : vector<1x16xf32> to vector<16xf32>
        %add3A_220 = arith.addf %add3A_206, %get3A_219 : vector<16xf32>
        %add3A_221 = arith.constant 11 : i32
        %add3A_222 = arith.addi %mul3A_66, %add3A_221 : i32
        %get3A_223 = arith.index_cast %add3A_222 : i32 to index
        %get3A_224 = arith.constant 16 : index
        %get3A_225 = tpu.vector_load %arg8[%get3A_223, %get3A_224] {strides = array<i32>} : memref<1600x32xf32, #tpu.memory_space<vmem>>, vector<1x16xf32>,
        %get3A_226 = vector.shape_cast %get3A_225 : vector<1x16xf32> to vector<16xf32>
        %add3A_227 = arith.addf %add3A_213, %get3A_226 : vector<16xf32>
        %add3A_228 = arith.constant 12 : i32
        %add3A_229 = arith.addi %mul3A_66, %add3A_228 : i32
        %get3A_230 = arith.index_cast %add3A_229 : i32 to index
        %get3A_231 = arith.constant 0 : index
        %get3A_232 = tpu.vector_load %arg8[%get3A_230, %get3A_231] {strides = array<i32>} : memref<1600x32xf32, #tpu.memory_space<vmem>>, vector<1x16xf32>,
        %get3A_233 = vector.shape_cast %get3A_232 : vector<1x16xf32> to vector<16xf32>
        %add3A_234 = arith.addf %add3A_220, %get3A_233 : vector<16xf32>
        %add3A_235 = arith.constant 12 : i32
        %add3A_236 = arith.addi %mul3A_66, %add3A_235 : i32
        %get3A_237 = arith.index_cast %add3A_236 : i32 to index
        %get3A_238 = arith.constant 16 : index
        %get3A_239 = tpu.vector_load %arg8[%get3A_237, %get3A_238] {strides = array<i32>} : memref<1600x32xf32, #tpu.memory_space<vmem>>, vector<1x16xf32>,
        %get3A_240 = vector.shape_cast %get3A_239 : vector<1x16xf32> to vector<16xf32>
        %add3A_241 = arith.addf %add3A_227, %get3A_240 : vector<16xf32>
        %add3A_242 = arith.constant 13 : i32
        %add3A_243 = arith.addi %mul3A_66, %add3A_242 : i32
        %get3A_244 = arith.index_cast %add3A_243 : i32 to index
        %get3A_245 = arith.constant 0 : index
        %get3A_246 = tpu.vector_load %arg8[%get3A_244, %get3A_245] {strides = array<i32>} : memref<1600x32xf32, #tpu.memory_space<vmem>>, vector<1x16xf32>,
        %get3A_247 = vector.shape_cast %get3A_246 : vector<1x16xf32> to vector<16xf32>
        %add3A_248 = arith.addf %add3A_234, %get3A_247 : vector<16xf32>
        %add3A_249 = arith.constant 13 : i32
        %add3A_250 = arith.addi %mul3A_66, %add3A_249 : i32
        %get3A_251 = arith.index_cast %add3A_250 : i32 to index
        %get3A_252 = arith.constant 16 : index
        %get3A_253 = tpu.vector_load %arg8[%get3A_251, %get3A_252] {strides = array<i32>} : memref<1600x32xf32, #tpu.memory_space<vmem>>, vector<1x16xf32>,
        %get3A_254 = vector.shape_cast %get3A_253 : vector<1x16xf32> to vector<16xf32>
        %add3A_255 = arith.addf %add3A_241, %get3A_254 : vector<16xf32>
        %add3A_256 = arith.constant 14 : i32
        %add3A_257 = arith.addi %mul3A_66, %add3A_256 : i32
        %get3A_258 = arith.index_cast %add3A_257 : i32 to index
        %get3A_259 = arith.constant 0 : index
        %get3A_260 = tpu.vector_load %arg8[%get3A_258, %get3A_259] {strides = array<i32>} : memref<1600x32xf32, #tpu.memory_space<vmem>>, vector<1x16xf32>,
        %get3A_261 = vector.shape_cast %get3A_260 : vector<1x16xf32> to vector<16xf32>
        %add3A_262 = arith.addf %add3A_248, %get3A_261 : vector<16xf32>
        %add3A_263 = arith.constant 14 : i32
        %add3A_264 = arith.addi %mul3A_66, %add3A_263 : i32
        %get3A_265 = arith.index_cast %add3A_264 : i32 to index
        %get3A_266 = arith.constant 16 : index
        %get3A_267 = tpu.vector_load %arg8[%get3A_265, %get3A_266] {strides = array<i32>} : memref<1600x32xf32, #tpu.memory_space<vmem>>, vector<1x16xf32>,
        %get3A_268 = vector.shape_cast %get3A_267 : vector<1x16xf32> to vector<16xf32>
        %add3A_269 = arith.addf %add3A_255, %get3A_268 : vector<16xf32>
        %add3A_270 = arith.constant 15 : i32
        %add3A_271 = arith.addi %mul3A_66, %add3A_270 : i32
        %get3A_272 = arith.index_cast %add3A_271 : i32 to index
        %get3A_273 = arith.constant 0 : index
        %get3A_274 = tpu.vector_load %arg8[%get3A_272, %get3A_273] {strides = array<i32>} : memref<1600x32xf32, #tpu.memory_space<vmem>>, vector<1x16xf32>,
        %get3A_275 = vector.shape_cast %get3A_274 : vector<1x16xf32> to vector<16xf32>
        %add3A_276 = arith.addf %add3A_262, %get3A_275 : vector<16xf32>
        %add3A_277 = arith.constant 15 : i32
        %add3A_278 = arith.addi %mul3A_66, %add3A_277 : i32
        %get3A_279 = arith.index_cast %add3A_278 : i32 to index
        %get3A_280 = arith.constant 16 : index
        %get3A_281 = tpu.vector_load %arg8[%get3A_279, %get3A_280] {strides = array<i32>} : memref<1600x32xf32, #tpu.memory_space<vmem>>, vector<1x16xf32>,
        %get3A_282 = vector.shape_cast %get3A_281 : vector<1x16xf32> to vector<16xf32>
        %add3A_283 = arith.addf %add3A_269, %get3A_282 : vector<16xf32>
        %add3A_284 = arith.constant 16 : i32
        %add3A_285 = arith.addi %mul3A_66, %add3A_284 : i32
        %get3A_286 = arith.index_cast %add3A_285 : i32 to index
        %get3A_287 = arith.constant 0 : index
        %get3A_288 = tpu.vector_load %arg8[%get3A_286, %get3A_287] {strides = array<i32>} : memref<1600x32xf32, #tpu.memory_space<vmem>>, vector<1x16xf32>,
        %get3A_289 = vector.shape_cast %get3A_288 : vector<1x16xf32> to vector<16xf32>
        %add3A_290 = arith.addf %add3A_276, %get3A_289 : vector<16xf32>
        %add3A_291 = arith.constant 16 : i32
        %add3A_292 = arith.addi %mul3A_66, %add3A_291 : i32
        %get3A_293 = arith.index_cast %add3A_292 : i32 to index
        %get3A_294 = arith.constant 16 : index
        %get3A_295 = tpu.vector_load %arg8[%get3A_293, %get3A_294] {strides = array<i32>} : memref<1600x32xf32, #tpu.memory_space<vmem>>, vector<1x16xf32>,
        %get3A_296 = vector.shape_cast %get3A_295 : vector<1x16xf32> to vector<16xf32>
        %add3A_297 = arith.addf %add3A_283, %get3A_296 : vector<16xf32>
        %add3A_298 = arith.constant 17 : i32
        %add3A_299 = arith.addi %mul3A_66, %add3A_298 : i32
        %get3A_300 = arith.index_cast %add3A_299 : i32 to index
        %get3A_301 = arith.constant 0 : index
        %get3A_302 = tpu.vector_load %arg8[%get3A_300, %get3A_301] {strides = array<i32>} : memref<1600x32xf32, #tpu.memory_space<vmem>>, vector<1x16xf32>,
        %get3A_303 = vector.shape_cast %get3A_302 : vector<1x16xf32> to vector<16xf32>
        %add3A_304 = arith.addf %add3A_290, %get3A_303 : vector<16xf32>
        %add3A_305 = arith.constant 17 : i32
        %add3A_306 = arith.addi %mul3A_66, %add3A_305 : i32
        %get3A_307 = arith.index_cast %add3A_306 : i32 to index
        %get3A_308 = arith.constant 16 : index
        %get3A_309 = tpu.vector_load %arg8[%get3A_307, %get3A_308] {strides = array<i32>} : memref<1600x32xf32, #tpu.memory_space<vmem>>, vector<1x16xf32>,
        %get3A_310 = vector.shape_cast %get3A_309 : vector<1x16xf32> to vector<16xf32>
        %add3A_311 = arith.addf %add3A_297, %get3A_310 : vector<16xf32>
        %add3A_312 = arith.constant 18 : i32
        %add3A_313 = arith.addi %mul3A_66, %add3A_312 : i32
        %get3A_314 = arith.index_cast %add3A_313 : i32 to index
        %get3A_315 = arith.constant 0 : index
        %get3A_316 = tpu.vector_load %arg8[%get3A_314, %get3A_315] {strides = array<i32>} : memref<1600x32xf32, #tpu.memory_space<vmem>>, vector<1x16xf32>,
        %get3A_317 = vector.shape_cast %get3A_316 : vector<1x16xf32> to vector<16xf32>
        %add3A_318 = arith.addf %add3A_304, %get3A_317 : vector<16xf32>
        %add3A_319 = arith.constant 18 : i32
        %add3A_320 = arith.addi %mul3A_66, %add3A_319 : i32
        %get3A_321 = arith.index_cast %add3A_320 : i32 to index
        %get3A_322 = arith.constant 16 : index
        %get3A_323 = tpu.vector_load %arg8[%get3A_321, %get3A_322] {strides = array<i32>} : memref<1600x32xf32, #tpu.memory_space<vmem>>, vector<1x16xf32>,
        %get3A_324 = vector.shape_cast %get3A_323 : vector<1x16xf32> to vector<16xf32>
        %add3A_325 = arith.addf %add3A_311, %get3A_324 : vector<16xf32>
        %add3A_326 = arith.constant 19 : i32
        %add3A_327 = arith.addi %mul3A_66, %add3A_326 : i32
        %get3A_328 = arith.index_cast %add3A_327 : i32 to index
        %get3A_329 = arith.constant 0 : index
        %get3A_330 = tpu.vector_load %arg8[%get3A_328, %get3A_329] {strides = array<i32>} : memref<1600x32xf32, #tpu.memory_space<vmem>>, vector<1x16xf32>,
        %get3A_331 = vector.shape_cast %get3A_330 : vector<1x16xf32> to vector<16xf32>
        %add3A_332 = arith.addf %add3A_318, %get3A_331 : vector<16xf32>
        %add3A_333 = arith.constant 19 : i32
        %add3A_334 = arith.addi %mul3A_66, %add3A_333 : i32
        %get3A_335 = arith.index_cast %add3A_334 : i32 to index
        %get3A_336 = arith.constant 16 : index
        %get3A_337 = tpu.vector_load %arg8[%get3A_335, %get3A_336] {strides = array<i32>} : memref<1600x32xf32, #tpu.memory_space<vmem>>, vector<1x16xf32>,
        %get3A_338 = vector.shape_cast %get3A_337 : vector<1x16xf32> to vector<16xf32>
        %add3A_339 = arith.addf %add3A_325, %get3A_338 : vector<16xf32>
        %add3A_340 = arith.constant 20 : i32
        %add3A_341 = arith.addi %mul3A_66, %add3A_340 : i32
        %get3A_342 = arith.index_cast %add3A_341 : i32 to index
        %get3A_343 = arith.constant 0 : index
        %get3A_344 = tpu.vector_load %arg8[%get3A_342, %get3A_343] {strides = array<i32>} : memref<1600x32xf32, #tpu.memory_space<vmem>>, vector<1x16xf32>,
        %get3A_345 = vector.shape_cast %get3A_344 : vector<1x16xf32> to vector<16xf32>
        %add3A_346 = arith.addf %add3A_332, %get3A_345 : vector<16xf32>
        %add3A_347 = arith.constant 20 : i32
        %add3A_348 = arith.addi %mul3A_66, %add3A_347 : i32
        %get3A_349 = arith.index_cast %add3A_348 : i32 to index
        %get3A_350 = arith.constant 16 : index
        %get3A_351 = tpu.vector_load %arg8[%get3A_349, %get3A_350] {strides = array<i32>} : memref<1600x32xf32, #tpu.memory_space<vmem>>, vector<1x16xf32>,
        %get3A_352 = vector.shape_cast %get3A_351 : vector<1x16xf32> to vector<16xf32>
        %add3A_353 = arith.addf %add3A_339, %get3A_352 : vector<16xf32>
        %add3A_354 = arith.constant 21 : i32
        %add3A_355 = arith.addi %mul3A_66, %add3A_354 : i32
        %get3A_356 = arith.index_cast %add3A_355 : i32 to index
        %get3A_357 = arith.constant 0 : index
        %get3A_358 = tpu.vector_load %arg8[%get3A_356, %get3A_357] {strides = array<i32>} : memref<1600x32xf32, #tpu.memory_space<vmem>>, vector<1x16xf32>,
        %get3A_359 = vector.shape_cast %get3A_358 : vector<1x16xf32> to vector<16xf32>
        %add3A_360 = arith.addf %add3A_346, %get3A_359 : vector<16xf32>
        %add3A_361 = arith.constant 21 : i32
        %add3A_362 = arith.addi %mul3A_66, %add3A_361 : i32
        %get3A_363 = arith.index_cast %add3A_362 : i32 to index
        %get3A_364 = arith.constant 16 : index
        %get3A_365 = tpu.vector_load %arg8[%get3A_363, %get3A_364] {strides = array<i32>} : memref<1600x32xf32, #tpu.memory_space<vmem>>, vector<1x16xf32>,
        %get3A_366 = vector.shape_cast %get3A_365 : vector<1x16xf32> to vector<16xf32>
        %add3A_367 = arith.addf %add3A_353, %get3A_366 : vector<16xf32>
        %add3A_368 = arith.constant 22 : i32
        %add3A_369 = arith.addi %mul3A_66, %add3A_368 : i32
        %get3A_370 = arith.index_cast %add3A_369 : i32 to index
        %get3A_371 = arith.constant 0 : index
        %get3A_372 = tpu.vector_load %arg8[%get3A_370, %get3A_371] {strides = array<i32>} : memref<1600x32xf32, #tpu.memory_space<vmem>>, vector<1x16xf32>,
        %get3A_373 = vector.shape_cast %get3A_372 : vector<1x16xf32> to vector<16xf32>
        %add3A_374 = arith.addf %add3A_360, %get3A_373 : vector<16xf32>
        %add3A_375 = arith.constant 22 : i32
        %add3A_376 = arith.addi %mul3A_66, %add3A_375 : i32
        %get3A_377 = arith.index_cast %add3A_376 : i32 to index
        %get3A_378 = arith.constant 16 : index
        %get3A_379 = tpu.vector_load %arg8[%get3A_377, %get3A_378] {strides = array<i32>} : memref<1600x32xf32, #tpu.memory_space<vmem>>, vector<1x16xf32>,
        %get3A_380 = vector.shape_cast %get3A_379 : vector<1x16xf32> to vector<16xf32>
        %add3A_381 = arith.addf %add3A_367, %get3A_380 : vector<16xf32>
        %add3A_382 = arith.constant 23 : i32
        %add3A_383 = arith.addi %mul3A_66, %add3A_382 : i32
        %get3A_384 = arith.index_cast %add3A_383 : i32 to index
        %get3A_385 = arith.constant 0 : index
        %get3A_386 = tpu.vector_load %arg8[%get3A_384, %get3A_385] {strides = array<i32>} : memref<1600x32xf32, #tpu.memory_space<vmem>>, vector<1x16xf32>,
        %get3A_387 = vector.shape_cast %get3A_386 : vector<1x16xf32> to vector<16xf32>
        %add3A_388 = arith.addf %add3A_374, %get3A_387 : vector<16xf32>
        %add3A_389 = arith.constant 23 : i32
        %add3A_390 = arith.addi %mul3A_66, %add3A_389 : i32
        %get3A_391 = arith.index_cast %add3A_390 : i32 to index
        %get3A_392 = arith.constant 16 : index
        %get3A_393 = tpu.vector_load %arg8[%get3A_391, %get3A_392] {strides = array<i32>} : memref<1600x32xf32, #tpu.memory_space<vmem>>, vector<1x16xf32>,
        %get3A_394 = vector.shape_cast %get3A_393 : vector<1x16xf32> to vector<16xf32>
        %add3A_395 = arith.addf %add3A_381, %get3A_394 : vector<16xf32>
        %add3A_396 = arith.constant 24 : i32
        %add3A_397 = arith.addi %mul3A_66, %add3A_396 : i32
        %get3A_398 = arith.index_cast %add3A_397 : i32 to index
        %get3A_399 = arith.constant 0 : index
        %get3A_400 = tpu.vector_load %arg8[%get3A_398, %get3A_399] {strides = array<i32>} : memref<1600x32xf32, #tpu.memory_space<vmem>>, vector<1x16xf32>,
        %get3A_401 = vector.shape_cast %get3A_400 : vector<1x16xf32> to vector<16xf32>
        %add3A_402 = arith.addf %add3A_388, %get3A_401 : vector<16xf32>
        %add3A_403 = arith.constant 24 : i32
        %add3A_404 = arith.addi %mul3A_66, %add3A_403 : i32
        %get3A_405 = arith.index_cast %add3A_404 : i32 to index
        %get3A_406 = arith.constant 16 : index
        %get3A_407 = tpu.vector_load %arg8[%get3A_405, %get3A_406] {strides = array<i32>} : memref<1600x32xf32, #tpu.memory_space<vmem>>, vector<1x16xf32>,
        %get3A_408 = vector.shape_cast %get3A_407 : vector<1x16xf32> to vector<16xf32>
        %add3A_409 = arith.addf %add3A_395, %get3A_408 : vector<16xf32>
        %add3A_410 = arith.constant 25 : i32
        %add3A_411 = arith.addi %mul3A_66, %add3A_410 : i32
        %get3A_412 = arith.index_cast %add3A_411 : i32 to index
        %get3A_413 = arith.constant 0 : index
        %get3A_414 = tpu.vector_load %arg8[%get3A_412, %get3A_413] {strides = array<i32>} : memref<1600x32xf32, #tpu.memory_space<vmem>>, vector<1x16xf32>,
        %get3A_415 = vector.shape_cast %get3A_414 : vector<1x16xf32> to vector<16xf32>
        %add3A_416 = arith.addf %add3A_402, %get3A_415 : vector<16xf32>
        %add3A_417 = arith.constant 25 : i32
        %add3A_418 = arith.addi %mul3A_66, %add3A_417 : i32
        %get3A_419 = arith.index_cast %add3A_418 : i32 to index
        %get3A_420 = arith.constant 16 : index
        %get3A_421 = tpu.vector_load %arg8[%get3A_419, %get3A_420] {strides = array<i32>} : memref<1600x32xf32, #tpu.memory_space<vmem>>, vector<1x16xf32>,
        %get3A_422 = vector.shape_cast %get3A_421 : vector<1x16xf32> to vector<16xf32>
        %add3A_423 = arith.addf %add3A_409, %get3A_422 : vector<16xf32>
        %add3A_424 = arith.constant 26 : i32
        %add3A_425 = arith.addi %mul3A_66, %add3A_424 : i32
        %get3A_426 = arith.index_cast %add3A_425 : i32 to index
        %get3A_427 = arith.constant 0 : index
        %get3A_428 = tpu.vector_load %arg8[%get3A_426, %get3A_427] {strides = array<i32>} : memref<1600x32xf32, #tpu.memory_space<vmem>>, vector<1x16xf32>,
        %get3A_429 = vector.shape_cast %get3A_428 : vector<1x16xf32> to vector<16xf32>
        %add3A_430 = arith.addf %add3A_416, %get3A_429 : vector<16xf32>
        %add3A_431 = arith.constant 26 : i32
        %add3A_432 = arith.addi %mul3A_66, %add3A_431 : i32
        %get3A_433 = arith.index_cast %add3A_432 : i32 to index
        %get3A_434 = arith.constant 16 : index
        %get3A_435 = tpu.vector_load %arg8[%get3A_433, %get3A_434] {strides = array<i32>} : memref<1600x32xf32, #tpu.memory_space<vmem>>, vector<1x16xf32>,
        %get3A_436 = vector.shape_cast %get3A_435 : vector<1x16xf32> to vector<16xf32>
        %add3A_437 = arith.addf %add3A_423, %get3A_436 : vector<16xf32>
        %add3A_438 = arith.constant 27 : i32
        %add3A_439 = arith.addi %mul3A_66, %add3A_438 : i32
        %get3A_440 = arith.index_cast %add3A_439 : i32 to index
        %get3A_441 = arith.constant 0 : index
        %get3A_442 = tpu.vector_load %arg8[%get3A_440, %get3A_441] {strides = array<i32>} : memref<1600x32xf32, #tpu.memory_space<vmem>>, vector<1x16xf32>,
        %get3A_443 = vector.shape_cast %get3A_442 : vector<1x16xf32> to vector<16xf32>
        %add3A_444 = arith.addf %add3A_430, %get3A_443 : vector<16xf32>
        %add3A_445 = arith.constant 27 : i32
        %add3A_446 = arith.addi %mul3A_66, %add3A_445 : i32
        %get3A_447 = arith.index_cast %add3A_446 : i32 to index
        %get3A_448 = arith.constant 16 : index
        %get3A_449 = tpu.vector_load %arg8[%get3A_447, %get3A_448] {strides = array<i32>} : memref<1600x32xf32, #tpu.memory_space<vmem>>, vector<1x16xf32>,
        %get3A_450 = vector.shape_cast %get3A_449 : vector<1x16xf32> to vector<16xf32>
        %add3A_451 = arith.addf %add3A_437, %get3A_450 : vector<16xf32>
        %add3A_452 = arith.constant 28 : i32
        %add3A_453 = arith.addi %mul3A_66, %add3A_452 : i32
        %get3A_454 = arith.index_cast %add3A_453 : i32 to index
        %get3A_455 = arith.constant 0 : index
        %get3A_456 = tpu.vector_load %arg8[%get3A_454, %get3A_455] {strides = array<i32>} : memref<1600x32xf32, #tpu.memory_space<vmem>>, vector<1x16xf32>,
        %get3A_457 = vector.shape_cast %get3A_456 : vector<1x16xf32> to vector<16xf32>
        %add3A_458 = arith.addf %add3A_444, %get3A_457 : vector<16xf32>
        %add3A_459 = arith.constant 28 : i32
        %add3A_460 = arith.addi %mul3A_66, %add3A_459 : i32
        %get3A_461 = arith.index_cast %add3A_460 : i32 to index
        %get3A_462 = arith.constant 16 : index
        %get3A_463 = tpu.vector_load %arg8[%get3A_461, %get3A_462] {strides = array<i32>} : memref<1600x32xf32, #tpu.memory_space<vmem>>, vector<1x16xf32>,
        %get3A_464 = vector.shape_cast %get3A_463 : vector<1x16xf32> to vector<16xf32>
        %add3A_465 = arith.addf %add3A_451, %get3A_464 : vector<16xf32>
        %add3A_466 = arith.constant 29 : i32
        %add3A_467 = arith.addi %mul3A_66, %add3A_466 : i32
        %get3A_468 = arith.index_cast %add3A_467 : i32 to index
        %get3A_469 = arith.constant 0 : index
        %get3A_470 = tpu.vector_load %arg8[%get3A_468, %get3A_469] {strides = array<i32>} : memref<1600x32xf32, #tpu.memory_space<vmem>>, vector<1x16xf32>,
        %get3A_471 = vector.shape_cast %get3A_470 : vector<1x16xf32> to vector<16xf32>
        %add3A_472 = arith.addf %add3A_458, %get3A_471 : vector<16xf32>
        %add3A_473 = arith.constant 29 : i32
        %add3A_474 = arith.addi %mul3A_66, %add3A_473 : i32
        %get3A_475 = arith.index_cast %add3A_474 : i32 to index
        %get3A_476 = arith.constant 16 : index
        %get3A_477 = tpu.vector_load %arg8[%get3A_475, %get3A_476] {strides = array<i32>} : memref<1600x32xf32, #tpu.memory_space<vmem>>, vector<1x16xf32>,
        %get3A_478 = vector.shape_cast %get3A_477 : vector<1x16xf32> to vector<16xf32>
        %add3A_479 = arith.addf %add3A_465, %get3A_478 : vector<16xf32>
        %add3A_480 = arith.constant 30 : i32
        %add3A_481 = arith.addi %mul3A_66, %add3A_480 : i32
        %get3A_482 = arith.index_cast %add3A_481 : i32 to index
        %get3A_483 = arith.constant 0 : index
        %get3A_484 = tpu.vector_load %arg8[%get3A_482, %get3A_483] {strides = array<i32>} : memref<1600x32xf32, #tpu.memory_space<vmem>>, vector<1x16xf32>,
        %get3A_485 = vector.shape_cast %get3A_484 : vector<1x16xf32> to vector<16xf32>
        %add3A_486 = arith.addf %add3A_472, %get3A_485 : vector<16xf32>
        %add3A_487 = arith.constant 30 : i32
        %add3A_488 = arith.addi %mul3A_66, %add3A_487 : i32
        %get3A_489 = arith.index_cast %add3A_488 : i32 to index
        %get3A_490 = arith.constant 16 : index
        %get3A_491 = tpu.vector_load %arg8[%get3A_489, %get3A_490] {strides = array<i32>} : memref<1600x32xf32, #tpu.memory_space<vmem>>, vector<1x16xf32>,
        %get3A_492 = vector.shape_cast %get3A_491 : vector<1x16xf32> to vector<16xf32>
        %add3A_493 = arith.addf %add3A_479, %get3A_492 : vector<16xf32>
        %add3A_494 = arith.constant 31 : i32
        %add3A_495 = arith.addi %mul3A_66, %add3A_494 : i32
        %get3A_496 = arith.index_cast %add3A_495 : i32 to index
        %get3A_497 = arith.constant 0 : index
        %get3A_498 = tpu.vector_load %arg8[%get3A_496, %get3A_497] {strides = array<i32>} : memref<1600x32xf32, #tpu.memory_space<vmem>>, vector<1x16xf32>,
        %get3A_499 = vector.shape_cast %get3A_498 : vector<1x16xf32> to vector<16xf32>
        %add3A_500 = arith.addf %add3A_486, %get3A_499 : vector<16xf32>
        %add3A_501 = arith.constant 31 : i32
        %add3A_502 = arith.addi %mul3A_66, %add3A_501 : i32
        %get3A_503 = arith.index_cast %add3A_502 : i32 to index
        %get3A_504 = arith.constant 16 : index
        %get3A_505 = tpu.vector_load %arg8[%get3A_503, %get3A_504] {strides = array<i32>} : memref<1600x32xf32, #tpu.memory_space<vmem>>, vector<1x16xf32>,
        %get3A_506 = vector.shape_cast %get3A_505 : vector<1x16xf32> to vector<16xf32>
        %add3A_507 = arith.addf %add3A_493, %get3A_506 : vector<16xf32>
        %add3A_508 = arith.constant 32 : i32
        %add3A_509 = arith.addi %mul3A_66, %add3A_508 : i32
        %get3A_510 = arith.index_cast %add3A_509 : i32 to index
        %get3A_511 = arith.constant 0 : index
        %get3A_512 = tpu.vector_load %arg8[%get3A_510, %get3A_511] {strides = array<i32>} : memref<1600x32xf32, #tpu.memory_space<vmem>>, vector<1x16xf32>,
        %get3A_513 = vector.shape_cast %get3A_512 : vector<1x16xf32> to vector<16xf32>
        %add3A_514 = arith.addf %add3A_500, %get3A_513 : vector<16xf32>
        %add3A_515 = arith.constant 32 : i32
        %add3A_516 = arith.addi %mul3A_66, %add3A_515 : i32
        %get3A_517 = arith.index_cast %add3A_516 : i32 to index
        %get3A_518 = arith.constant 16 : index
        %get3A_519 = tpu.vector_load %arg8[%get3A_517, %get3A_518] {strides = array<i32>} : memref<1600x32xf32, #tpu.memory_space<vmem>>, vector<1x16xf32>,
        %get3A_520 = vector.shape_cast %get3A_519 : vector<1x16xf32> to vector<16xf32>
        %add3A_521 = arith.addf %add3A_507, %get3A_520 : vector<16xf32>
        %add3A_522 = arith.constant 33 : i32
        %add3A_523 = arith.addi %mul3A_66, %add3A_522 : i32
        %get3A_524 = arith.index_cast %add3A_523 : i32 to index
        %get3A_525 = arith.constant 0 : index
        %get3A_526 = tpu.vector_load %arg8[%get3A_524, %get3A_525] {strides = array<i32>} : memref<1600x32xf32, #tpu.memory_space<vmem>>, vector<1x16xf32>,
        %get3A_527 = vector.shape_cast %get3A_526 : vector<1x16xf32> to vector<16xf32>
        %add3A_528 = arith.addf %add3A_514, %get3A_527 : vector<16xf32>
        %add3A_529 = arith.constant 33 : i32
        %add3A_530 = arith.addi %mul3A_66, %add3A_529 : i32
        %get3A_531 = arith.index_cast %add3A_530 : i32 to index
        %get3A_532 = arith.constant 16 : index
        %get3A_533 = tpu.vector_load %arg8[%get3A_531, %get3A_532] {strides = array<i32>} : memref<1600x32xf32, #tpu.memory_space<vmem>>, vector<1x16xf32>,
        %get3A_534 = vector.shape_cast %get3A_533 : vector<1x16xf32> to vector<16xf32>
        %add3A_535 = arith.addf %add3A_521, %get3A_534 : vector<16xf32>
        %add3A_536 = arith.constant 34 : i32
        %add3A_537 = arith.addi %mul3A_66, %add3A_536 : i32
        %get3A_538 = arith.index_cast %add3A_537 : i32 to index
        %get3A_539 = arith.constant 0 : index
        %get3A_540 = tpu.vector_load %arg8[%get3A_538, %get3A_539] {strides = array<i32>} : memref<1600x32xf32, #tpu.memory_space<vmem>>, vector<1x16xf32>,
        %get3A_541 = vector.shape_cast %get3A_540 : vector<1x16xf32> to vector<16xf32>
        %add3A_542 = arith.addf %add3A_528, %get3A_541 : vector<16xf32>
        %add3A_543 = arith.constant 34 : i32
        %add3A_544 = arith.addi %mul3A_66, %add3A_543 : i32
        %get3A_545 = arith.index_cast %add3A_544 : i32 to index
        %get3A_546 = arith.constant 16 : index
        %get3A_547 = tpu.vector_load %arg8[%get3A_545, %get3A_546] {strides = array<i32>} : memref<1600x32xf32, #tpu.memory_space<vmem>>, vector<1x16xf32>,
        %get3A_548 = vector.shape_cast %get3A_547 : vector<1x16xf32> to vector<16xf32>
        %add3A_549 = arith.addf %add3A_535, %get3A_548 : vector<16xf32>
        %add3A_550 = arith.constant 35 : i32
        %add3A_551 = arith.addi %mul3A_66, %add3A_550 : i32
        %get3A_552 = arith.index_cast %add3A_551 : i32 to index
        %get3A_553 = arith.constant 0 : index
        %get3A_554 = tpu.vector_load %arg8[%get3A_552, %get3A_553] {strides = array<i32>} : memref<1600x32xf32, #tpu.memory_space<vmem>>, vector<1x16xf32>,
        %get3A_555 = vector.shape_cast %get3A_554 : vector<1x16xf32> to vector<16xf32>
        %add3A_556 = arith.addf %add3A_542, %get3A_555 : vector<16xf32>
        %add3A_557 = arith.constant 35 : i32
        %add3A_558 = arith.addi %mul3A_66, %add3A_557 : i32
        %get3A_559 = arith.index_cast %add3A_558 : i32 to index
        %get3A_560 = arith.constant 16 : index
        %get3A_561 = tpu.vector_load %arg8[%get3A_559, %get3A_560] {strides = array<i32>} : memref<1600x32xf32, #tpu.memory_space<vmem>>, vector<1x16xf32>,
        %get3A_562 = vector.shape_cast %get3A_561 : vector<1x16xf32> to vector<16xf32>
        %add3A_563 = arith.addf %add3A_549, %get3A_562 : vector<16xf32>
        %add3A_564 = arith.constant 36 : i32
        %add3A_565 = arith.addi %mul3A_66, %add3A_564 : i32
        %get3A_566 = arith.index_cast %add3A_565 : i32 to index
        %get3A_567 = arith.constant 0 : index
        %get3A_568 = tpu.vector_load %arg8[%get3A_566, %get3A_567] {strides = array<i32>} : memref<1600x32xf32, #tpu.memory_space<vmem>>, vector<1x16xf32>,
        %get3A_569 = vector.shape_cast %get3A_568 : vector<1x16xf32> to vector<16xf32>
        %add3A_570 = arith.addf %add3A_556, %get3A_569 : vector<16xf32>
        %add3A_571 = arith.constant 36 : i32
        %add3A_572 = arith.addi %mul3A_66, %add3A_571 : i32
        %get3A_573 = arith.index_cast %add3A_572 : i32 to index
        %get3A_574 = arith.constant 16 : index
        %get3A_575 = tpu.vector_load %arg8[%get3A_573, %get3A_574] {strides = array<i32>} : memref<1600x32xf32, #tpu.memory_space<vmem>>, vector<1x16xf32>,
        %get3A_576 = vector.shape_cast %get3A_575 : vector<1x16xf32> to vector<16xf32>
        %add3A_577 = arith.addf %add3A_563, %get3A_576 : vector<16xf32>
        %add3A_578 = arith.constant 37 : i32
        %add3A_579 = arith.addi %mul3A_66, %add3A_578 : i32
        %get3A_580 = arith.index_cast %add3A_579 : i32 to index
        %get3A_581 = arith.constant 0 : index
        %get3A_582 = tpu.vector_load %arg8[%get3A_580, %get3A_581] {strides = array<i32>} : memref<1600x32xf32, #tpu.memory_space<vmem>>, vector<1x16xf32>,
        %get3A_583 = vector.shape_cast %get3A_582 : vector<1x16xf32> to vector<16xf32>
        %add3A_584 = arith.addf %add3A_570, %get3A_583 : vector<16xf32>
        %add3A_585 = arith.constant 37 : i32
        %add3A_586 = arith.addi %mul3A_66, %add3A_585 : i32
        %get3A_587 = arith.index_cast %add3A_586 : i32 to index
        %get3A_588 = arith.constant 16 : index
        %get3A_589 = tpu.vector_load %arg8[%get3A_587, %get3A_588] {strides = array<i32>} : memref<1600x32xf32, #tpu.memory_space<vmem>>, vector<1x16xf32>,
        %get3A_590 = vector.shape_cast %get3A_589 : vector<1x16xf32> to vector<16xf32>
        %add3A_591 = arith.addf %add3A_577, %get3A_590 : vector<16xf32>
        %add3A_592 = arith.constant 38 : i32
        %add3A_593 = arith.addi %mul3A_66, %add3A_592 : i32
        %get3A_594 = arith.index_cast %add3A_593 : i32 to index
        %get3A_595 = arith.constant 0 : index
        %get3A_596 = tpu.vector_load %arg8[%get3A_594, %get3A_595] {strides = array<i32>} : memref<1600x32xf32, #tpu.memory_space<vmem>>, vector<1x16xf32>,
        %get3A_597 = vector.shape_cast %get3A_596 : vector<1x16xf32> to vector<16xf32>
        %add3A_598 = arith.addf %add3A_584, %get3A_597 : vector<16xf32>
        %add3A_599 = arith.constant 38 : i32
        %add3A_600 = arith.addi %mul3A_66, %add3A_599 : i32
        %get3A_601 = arith.index_cast %add3A_600 : i32 to index
        %get3A_602 = arith.constant 16 : index
        %get3A_603 = tpu.vector_load %arg8[%get3A_601, %get3A_602] {strides = array<i32>} : memref<1600x32xf32, #tpu.memory_space<vmem>>, vector<1x16xf32>,
        %get3A_604 = vector.shape_cast %get3A_603 : vector<1x16xf32> to vector<16xf32>
        %add3A_605 = arith.addf %add3A_591, %get3A_604 : vector<16xf32>
        %add3A_606 = arith.constant 39 : i32
        %add3A_607 = arith.addi %mul3A_66, %add3A_606 : i32
        %get3A_608 = arith.index_cast %add3A_607 : i32 to index
        %get3A_609 = arith.constant 0 : index
        %get3A_610 = tpu.vector_load %arg8[%get3A_608, %get3A_609] {strides = array<i32>} : memref<1600x32xf32, #tpu.memory_space<vmem>>, vector<1x16xf32>,
        %get3A_611 = vector.shape_cast %get3A_610 : vector<1x16xf32> to vector<16xf32>
        %add3A_612 = arith.addf %add3A_598, %get3A_611 : vector<16xf32>
        %add3A_613 = arith.constant 39 : i32
        %add3A_614 = arith.addi %mul3A_66, %add3A_613 : i32
        %get3A_615 = arith.index_cast %add3A_614 : i32 to index
        %get3A_616 = arith.constant 16 : index
        %get3A_617 = tpu.vector_load %arg8[%get3A_615, %get3A_616] {strides = array<i32>} : memref<1600x32xf32, #tpu.memory_space<vmem>>, vector<1x16xf32>,
        %get3A_618 = vector.shape_cast %get3A_617 : vector<1x16xf32> to vector<16xf32>
        %add3A_619 = arith.addf %add3A_605, %get3A_618 : vector<16xf32>
        %add3A_620 = arith.constant 40 : i32
        %add3A_621 = arith.addi %mul3A_66, %add3A_620 : i32
        %get3A_622 = arith.index_cast %add3A_621 : i32 to index
        %get3A_623 = arith.constant 0 : index
        %get3A_624 = tpu.vector_load %arg8[%get3A_622, %get3A_623] {strides = array<i32>} : memref<1600x32xf32, #tpu.memory_space<vmem>>, vector<1x16xf32>,
        %get3A_625 = vector.shape_cast %get3A_624 : vector<1x16xf32> to vector<16xf32>
        %add3A_626 = arith.addf %add3A_612, %get3A_625 : vector<16xf32>
        %add3A_627 = arith.constant 40 : i32
        %add3A_628 = arith.addi %mul3A_66, %add3A_627 : i32
        %get3A_629 = arith.index_cast %add3A_628 : i32 to index
        %get3A_630 = arith.constant 16 : index
        %get3A_631 = tpu.vector_load %arg8[%get3A_629, %get3A_630] {strides = array<i32>} : memref<1600x32xf32, #tpu.memory_space<vmem>>, vector<1x16xf32>,
        %get3A_632 = vector.shape_cast %get3A_631 : vector<1x16xf32> to vector<16xf32>
        %add3A_633 = arith.addf %add3A_619, %get3A_632 : vector<16xf32>
        %add3A_634 = arith.constant 41 : i32
        %add3A_635 = arith.addi %mul3A_66, %add3A_634 : i32
        %get3A_636 = arith.index_cast %add3A_635 : i32 to index
        %get3A_637 = arith.constant 0 : index
        %get3A_638 = tpu.vector_load %arg8[%get3A_636, %get3A_637] {strides = array<i32>} : memref<1600x32xf32, #tpu.memory_space<vmem>>, vector<1x16xf32>,
        %get3A_639 = vector.shape_cast %get3A_638 : vector<1x16xf32> to vector<16xf32>
        %add3A_640 = arith.addf %add3A_626, %get3A_639 : vector<16xf32>
        %add3A_641 = arith.constant 41 : i32
        %add3A_642 = arith.addi %mul3A_66, %add3A_641 : i32
        %get3A_643 = arith.index_cast %add3A_642 : i32 to index
        %get3A_644 = arith.constant 16 : index
        %get3A_645 = tpu.vector_load %arg8[%get3A_643, %get3A_644] {strides = array<i32>} : memref<1600x32xf32, #tpu.memory_space<vmem>>, vector<1x16xf32>,
        %get3A_646 = vector.shape_cast %get3A_645 : vector<1x16xf32> to vector<16xf32>
        %add3A_647 = arith.addf %add3A_633, %get3A_646 : vector<16xf32>
        %add3A_648 = arith.constant 42 : i32
        %add3A_649 = arith.addi %mul3A_66, %add3A_648 : i32
        %get3A_650 = arith.index_cast %add3A_649 : i32 to index
        %get3A_651 = arith.constant 0 : index
        %get3A_652 = tpu.vector_load %arg8[%get3A_650, %get3A_651] {strides = array<i32>} : memref<1600x32xf32, #tpu.memory_space<vmem>>, vector<1x16xf32>,
        %get3A_653 = vector.shape_cast %get3A_652 : vector<1x16xf32> to vector<16xf32>
        %add3A_654 = arith.addf %add3A_640, %get3A_653 : vector<16xf32>
        %add3A_655 = arith.constant 42 : i32
        %add3A_656 = arith.addi %mul3A_66, %add3A_655 : i32
        %get3A_657 = arith.index_cast %add3A_656 : i32 to index
        %get3A_658 = arith.constant 16 : index
        %get3A_659 = tpu.vector_load %arg8[%get3A_657, %get3A_658] {strides = array<i32>} : memref<1600x32xf32, #tpu.memory_space<vmem>>, vector<1x16xf32>,
        %get3A_660 = vector.shape_cast %get3A_659 : vector<1x16xf32> to vector<16xf32>
        %add3A_661 = arith.addf %add3A_647, %get3A_660 : vector<16xf32>
        %add3A_662 = arith.constant 43 : i32
        %add3A_663 = arith.addi %mul3A_66, %add3A_662 : i32
        %get3A_664 = arith.index_cast %add3A_663 : i32 to index
        %get3A_665 = arith.constant 0 : index
        %get3A_666 = tpu.vector_load %arg8[%get3A_664, %get3A_665] {strides = array<i32>} : memref<1600x32xf32, #tpu.memory_space<vmem>>, vector<1x16xf32>,
        %get3A_667 = vector.shape_cast %get3A_666 : vector<1x16xf32> to vector<16xf32>
        %add3A_668 = arith.addf %add3A_654, %get3A_667 : vector<16xf32>
        %add3A_669 = arith.constant 43 : i32
        %add3A_670 = arith.addi %mul3A_66, %add3A_669 : i32
        %get3A_671 = arith.index_cast %add3A_670 : i32 to index
        %get3A_672 = arith.constant 16 : index
        %get3A_673 = tpu.vector_load %arg8[%get3A_671, %get3A_672] {strides = array<i32>} : memref<1600x32xf32, #tpu.memory_space<vmem>>, vector<1x16xf32>,
        %get3A_674 = vector.shape_cast %get3A_673 : vector<1x16xf32> to vector<16xf32>
        %add3A_675 = arith.addf %add3A_661, %get3A_674 : vector<16xf32>
        %add3A_676 = arith.constant 44 : i32
        %add3A_677 = arith.addi %mul3A_66, %add3A_676 : i32
        %get3A_678 = arith.index_cast %add3A_677 : i32 to index
        %get3A_679 = arith.constant 0 : index
        %get3A_680 = tpu.vector_load %arg8[%get3A_678, %get3A_679] {strides = array<i32>} : memref<1600x32xf32, #tpu.memory_space<vmem>>, vector<1x16xf32>,
        %get3A_681 = vector.shape_cast %get3A_680 : vector<1x16xf32> to vector<16xf32>
        %add3A_682 = arith.addf %add3A_668, %get3A_681 : vector<16xf32>
        %add3A_683 = arith.constant 44 : i32
        %add3A_684 = arith.addi %mul3A_66, %add3A_683 : i32
        %get3A_685 = arith.index_cast %add3A_684 : i32 to index
        %get3A_686 = arith.constant 16 : index
        %get3A_687 = tpu.vector_load %arg8[%get3A_685, %get3A_686] {strides = array<i32>} : memref<1600x32xf32, #tpu.memory_space<vmem>>, vector<1x16xf32>,
        %get3A_688 = vector.shape_cast %get3A_687 : vector<1x16xf32> to vector<16xf32>
        %add3A_689 = arith.addf %add3A_675, %get3A_688 : vector<16xf32>
        %add3A_690 = arith.constant 45 : i32
        %add3A_691 = arith.addi %mul3A_66, %add3A_690 : i32
        %get3A_692 = arith.index_cast %add3A_691 : i32 to index
        %get3A_693 = arith.constant 0 : index
        %get3A_694 = tpu.vector_load %arg8[%get3A_692, %get3A_693] {strides = array<i32>} : memref<1600x32xf32, #tpu.memory_space<vmem>>, vector<1x16xf32>,
        %get3A_695 = vector.shape_cast %get3A_694 : vector<1x16xf32> to vector<16xf32>
        %add3A_696 = arith.addf %add3A_682, %get3A_695 : vector<16xf32>
        %add3A_697 = arith.constant 45 : i32
        %add3A_698 = arith.addi %mul3A_66, %add3A_697 : i32
        %get3A_699 = arith.index_cast %add3A_698 : i32 to index
        %get3A_700 = arith.constant 16 : index
        %get3A_701 = tpu.vector_load %arg8[%get3A_699, %get3A_700] {strides = array<i32>} : memref<1600x32xf32, #tpu.memory_space<vmem>>, vector<1x16xf32>,
        %get3A_702 = vector.shape_cast %get3A_701 : vector<1x16xf32> to vector<16xf32>
        %add3A_703 = arith.addf %add3A_689, %get3A_702 : vector<16xf32>
        %add3A_704 = arith.constant 46 : i32
        %add3A_705 = arith.addi %mul3A_66, %add3A_704 : i32
        %get3A_706 = arith.index_cast %add3A_705 : i32 to index
        %get3A_707 = arith.constant 0 : index
        %get3A_708 = tpu.vector_load %arg8[%get3A_706, %get3A_707] {strides = array<i32>} : memref<1600x32xf32, #tpu.memory_space<vmem>>, vector<1x16xf32>,
        %get3A_709 = vector.shape_cast %get3A_708 : vector<1x16xf32> to vector<16xf32>
        %add3A_710 = arith.addf %add3A_696, %get3A_709 : vector<16xf32>
        %add3A_711 = arith.constant 46 : i32
        %add3A_712 = arith.addi %mul3A_66, %add3A_711 : i32
        %get3A_713 = arith.index_cast %add3A_712 : i32 to index
        %get3A_714 = arith.constant 16 : index
        %get3A_715 = tpu.vector_load %arg8[%get3A_713, %get3A_714] {strides = array<i32>} : memref<1600x32xf32, #tpu.memory_space<vmem>>, vector<1x16xf32>,
        %get3A_716 = vector.shape_cast %get3A_715 : vector<1x16xf32> to vector<16xf32>
        %add3A_717 = arith.addf %add3A_703, %get3A_716 : vector<16xf32>
        %add3A_718 = arith.constant 47 : i32
        %add3A_719 = arith.addi %mul3A_66, %add3A_718 : i32
        %get3A_720 = arith.index_cast %add3A_719 : i32 to index
        %get3A_721 = arith.constant 0 : index
        %get3A_722 = tpu.vector_load %arg8[%get3A_720, %get3A_721] {strides = array<i32>} : memref<1600x32xf32, #tpu.memory_space<vmem>>, vector<1x16xf32>,
        %get3A_723 = vector.shape_cast %get3A_722 : vector<1x16xf32> to vector<16xf32>
        %add3A_724 = arith.addf %add3A_710, %get3A_723 : vector<16xf32>
        %add3A_725 = arith.constant 47 : i32
        %add3A_726 = arith.addi %mul3A_66, %add3A_725 : i32
        %get3A_727 = arith.index_cast %add3A_726 : i32 to index
        %get3A_728 = arith.constant 16 : index
        %get3A_729 = tpu.vector_load %arg8[%get3A_727, %get3A_728] {strides = array<i32>} : memref<1600x32xf32, #tpu.memory_space<vmem>>, vector<1x16xf32>,
        %get3A_730 = vector.shape_cast %get3A_729 : vector<1x16xf32> to vector<16xf32>
        %add3A_731 = arith.addf %add3A_717, %get3A_730 : vector<16xf32>
        %add3A_732 = arith.constant 48 : i32
        %add3A_733 = arith.addi %mul3A_66, %add3A_732 : i32
        %get3A_734 = arith.index_cast %add3A_733 : i32 to index
        %get3A_735 = arith.constant 0 : index
        %get3A_736 = tpu.vector_load %arg8[%get3A_734, %get3A_735] {strides = array<i32>} : memref<1600x32xf32, #tpu.memory_space<vmem>>, vector<1x16xf32>,
        %get3A_737 = vector.shape_cast %get3A_736 : vector<1x16xf32> to vector<16xf32>
        %add3A_738 = arith.addf %add3A_724, %get3A_737 : vector<16xf32>
        %add3A_739 = arith.constant 48 : i32
        %add3A_740 = arith.addi %mul3A_66, %add3A_739 : i32
        %get3A_741 = arith.index_cast %add3A_740 : i32 to index
        %get3A_742 = arith.constant 16 : index
        %get3A_743 = tpu.vector_load %arg8[%get3A_741, %get3A_742] {strides = array<i32>} : memref<1600x32xf32, #tpu.memory_space<vmem>>, vector<1x16xf32>,
        %get3A_744 = vector.shape_cast %get3A_743 : vector<1x16xf32> to vector<16xf32>
        %add3A_745 = arith.addf %add3A_731, %get3A_744 : vector<16xf32>
        %add3A_746 = arith.constant 49 : i32
        %add3A_747 = arith.addi %mul3A_66, %add3A_746 : i32
        %get3A_748 = arith.index_cast %add3A_747 : i32 to index
        %get3A_749 = arith.constant 0 : index
        %get3A_750 = tpu.vector_load %arg8[%get3A_748, %get3A_749] {strides = array<i32>} : memref<1600x32xf32, #tpu.memory_space<vmem>>, vector<1x16xf32>,
        %get3A_751 = vector.shape_cast %get3A_750 : vector<1x16xf32> to vector<16xf32>
        %add3A_752 = arith.addf %add3A_738, %get3A_751 : vector<16xf32>
        %add3A_753 = arith.constant 49 : i32
        %add3A_754 = arith.addi %mul3A_66, %add3A_753 : i32
        %get3A_755 = arith.index_cast %add3A_754 : i32 to index
        %get3A_756 = arith.constant 16 : index
        %get3A_757 = tpu.vector_load %arg8[%get3A_755, %get3A_756] {strides = array<i32>} : memref<1600x32xf32, #tpu.memory_space<vmem>>, vector<1x16xf32>,
        %get3A_758 = vector.shape_cast %get3A_757 : vector<1x16xf32> to vector<16xf32>
        %add3A_759 = arith.addf %add3A_745, %get3A_758 : vector<16xf32>
        %mul3A_760 = arith.constant 2.000000e-02 : f32
        %mul3A_761 = vector.broadcast %mul3A_760 : f32 to vector<16xf32>
        %mul3A_762 = arith.mulf %add3A_752, %mul3A_761 : vector<16xf32>
        %swap3A = arith.index_cast %scan3A_64 : i32 to index
        %swap3A_763 = arith.constant 0 : index
        %swap3A_764 = tpu.vector_load %arg9[%swap3A, %swap3A_763] {strides = array<i32>} : memref<32x32xf32, #tpu.memory_space<vmem>>, vector<1x16xf32>,
        %swap3A_765 = vector.shape_cast %swap3A_764 : vector<1x16xf32> to vector<16xf32>
        %swap3A_766 = vector.shape_cast %mul3A_762 : vector<16xf32> to vector<1x16xf32>
        tpu.vector_store %arg9[%swap3A, %swap3A_763], %swap3A_766 {strides = array<i32>} : memref<32x32xf32, #tpu.memory_space<vmem>>, vector<1x16xf32>,
        %mul3A_767 = arith.constant 2.000000e-02 : f32
        %mul3A_768 = vector.broadcast %mul3A_767 : f32 to vector<16xf32>
        %mul3A_769 = arith.mulf %add3A_759, %mul3A_768 : vector<16xf32>
        %swap3A_770 = arith.index_cast %scan3A_64 : i32 to index
        %swap3A_771 = arith.constant 16 : index
        %swap3A_772 = tpu.vector_load %arg9[%swap3A_770, %swap3A_771] {strides = array<i32>} : memref<32x32xf32, #tpu.memory_space<vmem>>, vector<1x16xf32>,
        %swap3A_773 = vector.shape_cast %swap3A_772 : vector<1x16xf32> to vector<16xf32>
        %swap3A_774 = vector.shape_cast %mul3A_769 : vector<16xf32> to vector<1x16xf32>
        tpu.vector_store %arg9[%swap3A_770, %swap3A_771], %swap3A_774 {strides = array<i32>} : memref<32x32xf32, #tpu.memory_space<vmem>>, vector<1x16xf32>,
      }
      %scan3A_60 = arith.constant 32 : i32
      %mul3A_61 = arith.constant 32 : i32
      %mul3A_62 = arith.muli %add3A_24, %mul3A_61 : i32
      %add3A_63 = arith.addi %mul3A_4, %mul3A_62 : i32
      "tpu.region"() ({
        %run_scoped3A = tpu.sem_alloc : memref<!tpu.dma_semaphore, #tpu.memory_space<semaphore_mem>>
        %dma_start3A_64 = arith.constant 0 : i32
        %dma_start3A_65 = tpu.memref_slice %arg4[%add3A_63, %dma_start3A_64] : memref<16384x32xf32, #tpu.memory_space<hbm>> -> memref<32x32xf32, #tpu.memory_space<hbm>>
        %dma_start3A_66 = arith.constant 0 : i32
        %dma_start3A_67 = tpu.memref_slice %arg4[%add3A_63, %dma_start3A_66] : memref<16384x32xf32, #tpu.memory_space<hbm>> -> memref<32x32xf32, #tpu.memory_space<hbm>>
        tpu.enqueue_dma source(%arg9 : memref<32x32xf32, #tpu.memory_space<vmem>>) target(%dma_start3A_67 : memref<32x32xf32, #tpu.memory_space<hbm>>) target_semaphore(%run_scoped3A : memref<!tpu.dma_semaphore, #tpu.memory_space<semaphore_mem>>)
        %dma_wait3A_68 = arith.constant 0 : i32
        %dma_wait3A_69 = tpu.memref_slice %arg4[%add3A_63, %dma_wait3A_68] : memref<16384x32xf32, #tpu.memory_space<hbm>> -> memref<32x32xf32, #tpu.memory_space<hbm>>
        %dma_wait3A_70 = arith.constant 0 : i32
        %dma_wait3A_71 = tpu.memref_slice %arg4[%add3A_63, %dma_wait3A_70] : memref<16384x32xf32, #tpu.memory_space<hbm>> -> memref<32x32xf32, #tpu.memory_space<hbm>>
        tpu.wait_dma2 semaphore(%run_scoped3A : memref<!tpu.dma_semaphore, #tpu.memory_space<semaphore_mem>>) src(%arg9 : memref<32x32xf32, #tpu.memory_space<vmem>>) dst(%dma_wait3A_71 : memref<32x32xf32, #tpu.memory_space<hbm>>)
        tpu.yield
      }) : () -> ()
    }
    %scan3A_19 = arith.constant 8 : i32
    return
  }
}

module attributes {stable_mosaic.version = 14 : i64} {
  func.func @_tr_body(%arg0: i32, %arg1: memref<32x8192xf32, #tpu.memory_space<vmem>>, %arg2: memref<2048x128xf32, #tpu.memory_space<vmem>>) attributes {dimension_semantics = [#tpu.dimension_semantics<arbitrary>], iteration_bounds = array<i64: 123>, scalar_prefetch = 0 : i64, scratch_operands = 0 : i64, tpu.core_type = #tpu.core_type<tc>, window_params = [{transform_indices = @transform_0, window_bounds = array<i64: 32, 8192>}, {transform_indices = @transform_1, window_bounds = array<i64: 2048, 128>}]} {
    %get3A = arith.constant 0 : index
    %get3A_0 = arith.constant 0 : index
    %get3A_1 = vector.load %arg1[%get3A, %get3A_0] : memref<32x8192xf32, #tpu.memory_space<vmem>>, vector<32x8192xf32>
    %slice3A = vector.extract_strided_slice %get3A_1 {offsets = [0, 0], sizes = [32, 2048], strides = [1, 1]} : vector<32x8192xf32> to vector<32x2048xf32>
    %transpose3A = tpu.transpose %slice3A, [1, 0] : vector<32x2048xf32> -> vector<2048x32xf32>
    %slice3A_2 = vector.extract_strided_slice %get3A_1 {offsets = [0, 2048], sizes = [32, 2048], strides = [1, 1]} : vector<32x8192xf32> to vector<32x2048xf32>
    %transpose3A_3 = tpu.transpose %slice3A_2, [1, 0] : vector<32x2048xf32> -> vector<2048x32xf32>
    %slice3A_4 = vector.extract_strided_slice %get3A_1 {offsets = [0, 4096], sizes = [32, 2048], strides = [1, 1]} : vector<32x8192xf32> to vector<32x2048xf32>
    %transpose3A_5 = tpu.transpose %slice3A_4, [1, 0] : vector<32x2048xf32> -> vector<2048x32xf32>
    %slice3A_6 = vector.extract_strided_slice %get3A_1 {offsets = [0, 6144], sizes = [32, 2048], strides = [1, 1]} : vector<32x8192xf32> to vector<32x2048xf32>
    %transpose3A_7 = tpu.transpose %slice3A_6, [1, 0] : vector<32x2048xf32> -> vector<2048x32xf32>
    %concatenate3A = tpu.concatenate %transpose3A, %transpose3A_3, %transpose3A_5, %transpose3A_7 in 1 : vector<2048x32xf32>, vector<2048x32xf32>, vector<2048x32xf32>, vector<2048x32xf32> -> vector<2048x128xf32>
    %swap3A = arith.constant 0 : index
    %swap3A_8 = arith.constant 0 : index
    %swap3A_9 = vector.load %arg2[%swap3A, %swap3A_8] : memref<2048x128xf32, #tpu.memory_space<vmem>>, vector<2048x128xf32>
    tpu.vector_store %arg2[%swap3A, %swap3A_8], %concatenate3A {strides = array<i32>} : memref<2048x128xf32, #tpu.memory_space<vmem>>, vector<2048x128xf32>,
    return
  }
  func.func @transform_0(%arg0: i32) -> (i32, i32) {
    %c0_i32 = arith.constant 0 : i32
    %c0_i32_0 = arith.constant 0 : i32
    return %c0_i32, %arg0 : i32, i32
  }
  func.func @transform_1(%arg0: i32) -> (i32, i32) {
    %c0_i32 = arith.constant 0 : i32
    %c0_i32_0 = arith.constant 0 : i32
    return %arg0, %c0_i32 : i32, i32
  }
}

</mosaic_0001>

<sc_bundles>
// kernel: kernel.4.cloned.1.call-start
scs
__scs_entry_jumppad:
0x0: {  	(pc) =	sbr.rel $0x88, $3  }
0x1: {  	(tag) =	ssettag $0x0;
	lr =	simm.s32 $0x1  }
0x2: {  	[smem:$0x3F9F] =	sst lr;
	_ =	strace $0xD0000000  }
0x3: {  	_ = 	snop  }
0x4: {  	_ = 	snop  }
0x5: {  	_ = 	snop  }
0x6: {  	_ = 	snop  }
0x7: {  	_ = 	snop  }
__scs_overlays_trampoline_lowered:
0x8: {  	[smem:$0x3FAE] =	sst s0  }
0x9: {  	[smem:$0x3FAF] =	sst s1  }
0xa: {  	[smem:$0x3FB0] =	sst s2  }
0xb: {  	[smem:$0x3FB1] =	sst s3  }
0xc: {  	[smem:$0x3FB2] =	sst s4  }
0xd: {  	[smem:$0x3FB3] =	sst s5  }
0xe: {  	[smem:$0x3FB4] =	sst s6  }
0xf: {  	[smem:$0x3FB5] =	sst s7  }
0x10: {  	[smem:$0x3FB6] =	sst s8  }
0x11: {  	[smem:$0x3FB7] =	sst s9;
	s0 =	simm.s32 @!p0 $0x0  }
0x12: {  	s1 =	sld [smem:$0x3F9D];
	s0 =	simm.s32 @p0 $0x1  }
0x13: {  	[smem:$0x3FB8] =	sst s0;
	s0 =	simm.s32 @!p1 $0x0  }
0x14: {  	s2 =	sld [smem:$0x3F9C];
	s0 =	simm.s32 @p1 $0x1  }
0x15: {  	[smem:$0x3FB9] =	sst s0;
	s0 =	simm.s32 @!p2 $0x0  }
0x16: {  	s3 =	sld [smem:$0x3FDB];
	s0 =	simm.s32 @p2 $0x1  }
0x17: {  	s4 =	simm.s32 $0x1BF5;
	[smem:$0x3FBB] =	sst s0  }
0x18: {  	s0 =	sld [smem:$0x3F9E];
	_ =	swait.ge [sflag:s4], $0x0  }
0x19: {  	s7 =	sld [smem:$0x3F9F]  }
0x1a: {  	s8 =	sadd.s32 $0xFFFFE003, lr  }
0x1b: {  	s9 =	sadd.s32 $0xFFFFFEF7, lr;
	s5 =	simm.s32 $0xFFFFFFFF;
	p2 =	slt.u32 s8, $0xFFFFF086  }
0x1c: {  	p1 =	slt.u32 s9, $0xF7A;
	s5 =	simm.s32 @!p2 $0x0  }
0x1d: {  	s5 =	simm.s32 @p1 $0x1;
	p0 =	seq.s32 s7, s2  }
0x1e: {  	s7 =	smul.u32 @!p0 $0xF7A, s2;
	p2 =	seq.s32 @!p0 s5, $0x0  }
0x1f: {  	s9 =	smul.u32 $0xF7A, s1;
	s8 =	simm.s32 @!p0 $0x1BF5;
	p2 =	por !p2, p0  }
0x20: {  	[sflag:s8] =	ssyncset.s32 @!p0 $0xFFFFF086;
	s6 =	sadd.s32 @!p0 s3, s7;
	s7 =	simm.s32 @!p0 $0x108  }
0x21: {  	s3 =	sadd.s32 s3, s9;
	s6 =	sadd.s32 @!p0 $0x88, s6;
	s7 =	simm.s32 @p2 $0x1082  }
0x22: {  	[simem:s7], [sflag:s8] =	dma.local @!p0 [hbm:s6], $0xF7A  }
0x23: {  	s9 =	sor.u32 $0xD0000000, s2;
	s6 =	simm.s32 $0x108;
	_ =	swait.ge @!p0 [sflag:s8], $0x0  }
0x24: {  	s3 =	sadd.s32 $0x88, s3;
	s6 =	simm.s32 @!p1 $0x1082;
	[sflag:s4] =	ssyncset.s32 $0xFFFFF086  }
0x25: {  	[simem:s6], [sflag:s4] =	dma.local [hbm:s3], $0xF7A  }
0x26: {  	[smem:$0x3F9F] =	sst s1;
	(tag) =	ssettag s2;
	_ =	strace s9  }
0x27: {  	s1 =	sld [smem:$0x3FAF]  }
0x28: {  	s2 =	sld [smem:$0x3FB0]  }
0x29: {  	s4 =	sld [smem:$0x3FB2]  }
0x2a: {  	p0 =	seq.s32 s5, $0x0;
	s5 =	sld [smem:$0x3FB3]  }
0x2b: {  	s6 =	sld [smem:$0x3FB4]  }
0x2c: {  	s7 =	sld [smem:$0x3FB5]  }
0x2d: {  	s3 =	simm.s32 $0x108;
	s8 =	sld [smem:$0x3FB6]  }
0x2e: {  	s3 =	simm.s32 @!p0 $0x1082;
	s9 =	sld [smem:$0x3FB7]  }
0x2f: {  	lr =	sadd.s32 s0, s3;
	s0 =	sld [smem:$0x3FAE]  }
0x30: {  	s3 =	sld [smem:$0x3FB1]  }
0x31: {  	[smem:$0x3FBA] =	sst s10  }
0x32: {  	s10 =	sld [smem:$0x3FB8];
	_ =	sdelay $0x3  }
0x33: {  	p0 =	seq.s32 s10, $0x1;
	s10 =	sld [smem:$0x3FBA];
	_ =	sdelay $0x3  }
0x34: {  	[smem:$0x3FBA] =	sst s10  }
0x35: {  	s10 =	sld [smem:$0x3FB9];
	_ =	sdelay $0x3  }
0x36: {  	p1 =	seq.s32 s10, $0x1;
	s10 =	sld [smem:$0x3FBA];
	_ =	sdelay $0x3  }
0x37: {  	[smem:$0x3FBA] =	sst s10  }
0x38: {  	s10 =	sld [smem:$0x3FBB]  }
0x39: {  	_ = 	snop;
	(pc) =	sbr.ind lr, $3  }
0x3a: {  	_ = 	snop  }
0x3b: {  	_ = 	snop  }
0x3c: {  	p2 =	seq.s32 s10, $0x1;
	s10 =	sld [smem:$0x3FBA]  }
0x3d: {  	_ =	shalt  }
0x3e: {  	_ =	shalt  }
0x3f: {  	_ =	shalt  }
0x40: {  	_ =	shalt  }
0x41: {  	_ =	shalt  }
0x42: {  	_ =	shalt  }
0x43: {  	_ =	shalt  }
0x44: {  	_ =	shalt  }
0x45: {  	_ =	shalt  }
0x46: {  	_ =	shalt  }
0x47: {  	_ =	shalt  }
0x48: {  	_ =	shalt  }
0x49: {  	_ =	shalt  }
0x4a: {  	_ =	shalt  }
0x4b: {  	_ =	shalt  }
0x4c: {  	_ =	shalt  }
0x4d: {  	_ =	shalt  }
0x4e: {  	_ =	shalt  }
0x4f: {  	_ =	shalt  }
0x50: {  	_ =	shalt  }
0x51: {  	_ =	shalt  }
0x52: {  	_ =	shalt  }
0x53: {  	_ =	shalt  }
0x54: {  	_ =	shalt  }
0x55: {  	_ =	shalt  }
0x56: {  	_ =	shalt  }
0x57: {  	_ =	shalt  }
0x58: {  	_ =	shalt  }
0x59: {  	_ =	shalt  }
0x5a: {  	_ =	shalt  }
0x5b: {  	_ =	shalt  }
0x5c: {  	_ =	shalt  }
0x5d: {  	_ =	shalt  }
0x5e: {  	_ =	shalt  }
0x5f: {  	_ =	shalt  }
0x60: {  	_ =	shalt  }
0x61: {  	_ =	shalt  }
0x62: {  	_ =	shalt  }
0x63: {  	_ =	shalt  }
0x64: {  	_ =	shalt  }
0x65: {  	_ =	shalt  }
0x66: {  	_ =	shalt  }
0x67: {  	_ =	shalt  }
0x68: {  	_ =	shalt  }
0x69: {  	_ =	shalt  }
0x6a: {  	_ =	shalt  }
0x6b: {  	_ =	shalt  }
0x6c: {  	_ =	shalt  }
0x6d: {  	_ =	shalt  }
0x6e: {  	_ =	shalt  }
0x6f: {  	_ =	shalt  }
0x70: {  	_ =	shalt  }
0x71: {  	_ =	shalt  }
0x72: {  	_ =	shalt  }
0x73: {  	_ =	shalt  }
0x74: {  	_ =	shalt  }
0x75: {  	_ =	shalt  }
0x76: {  	_ =	shalt  }
0x77: {  	_ =	shalt  }
0x78: {  	_ =	shalt  }
0x79: {  	_ =	shalt  }
0x7a: {  	_ =	shalt  }
0x7b: {  	_ =	shalt  }
0x7c: {  	_ =	shalt  }
0x7d: {  	_ =	shalt  }
0x7e: {  	_ =	shalt  }
0x7f: {  	_ =	shalt  }
0x80: {  	_ =	shalt  }
0x81: {  	_ =	shalt  }
0x82: {  	_ =	shalt  }
0x83: {  	_ =	shalt  }
0x84: {  	_ =	shalt  }
0x85: {  	_ =	shalt  }
0x86: {  	_ =	shalt  }
0x87: {  	_ =	shalt  }
.Lfunc_end0:
.L_simem_size_0:
called_computation_lowered:
.L_overlay_start_0:
0x88: {  	s2 =	sld [smem:$0x3FD9]  }
0x89: {  	s3 =	sld [smem:$0x3FFE];
	_ =	sdelay $0x1  }
0x8a: {  	s1 =	srdreg.scid  }
0x8b: {  	s0 =	sand.u32 $0x1, s1  }
0x8c: {  	s17 =	sshll.u32 s0, $0xA;
	s2 =	sadd.s32 s3, s2  }
0x8d: {  	s2 =	sadd.s32 s2, s17  }
0x8e: {  	[smem:$0x3FC6] =	sst s2  }
0x8f: {  	_ = 	snop  }
0x90: {  	s2 =	sld [smem:$0x3FD0];
	(tm) =	ssettm $0x1  }
0x91: {  	s18 =	sld [smem:$0x3FFB];
	_ =	sdelay $0x3  }
0x92: {  	_ =	strace s18  }
0x93: {  	s3 =	sld [smem:$0x3FFC];
	_ =	sdelay $0x3  }
0x94: {  	_ =	strace s3  }
0x95: {  	s3 =	sld [smem:$0x3FFD];
	_ =	sdelay $0x3  }
0x96: {  	_ =	strace s3  }
0x97: {  	_ =	strace $0x8FFFFFFF  }
0x98: {  	s19 =	sld [smem:$0x3FDB];
	_ =	sdelay $0x1  }
0x99: {  	s4 =	simm.s32 $_scs_section_size  }
0x9a: {  	s5 =	simm.s32 $_size__tile_overlayer_lowered;
	s6 =	simm.s32 $_tile_overlayer_lowered  }
0x9b: {  	s22 =	simm.s32 $0x1BFF;
	s21 =	sshll.u32 s6, $0x1;
	s3 =	sadd.s32 s4, s19  }
0x9c: {  	s7 =	simm.s32 $0x0;
	s20 =	sshll.u32 s5, $0x1;
	s5 =	sadd.s32 s21, s3  }
0x9d: {  	[timem:s7], [sflag:s22] =	dma.local [hbm:s5], s20  }
0x9e: {  	_ =	swait.ge [sflag:s22], s20  }
0x9f: {  	s4 =	ssub.s32 $0x0, s20;
	[sflag:s22] =	ssyncset.done $0x0  }
0xa0: {  	[sflag:s22] =	ssyncadd.s32 s4;
	_ =	sdelay $0x1  }
0xa1: {  	s23 =	simm.s32 $0x1B8B  }
0xa2: {  	_ =	swait.ge [sflag:s23], $0x1  }
0xa3: {  	[sflag:s23] =	ssyncset.done $0x0  }
0xa4: {  	s25 =	simm.s32 $0x1B8E;
	s24 =	sld [smem:$0x3FFE];
	[sflag:s23] =	ssyncadd.s32 $0xFFFFFFFF  }
0xa5: {  	s26 =	simm.s32 $execute0_lowered;
	[smem:$0x3FD2] =	sst s25  }
0xa6: {  	s5 =	sshll.u32 s26, $0x1;
	_ =	strace $0x80000046;
	[dreg:$0x1] =	wrdreg $0xFFFFFFFF  }
0xa7: {  	s28 =	simm.s32 $_size_execute0_lowered;
	s3 =	sadd.s32 s3, s5;
	[dreg:$0x0] =	wrdreg $0x0  }
0xa8: {  	s5 =	sshll.u32 s28, $0x1;
	[dreg:$0x2] =	wrdreg s3  }
0xa9: {  	[dreg:$0x3] =	wrdreg s5  }
0xaa: {  	[dreg:$0x4] =	wrdreg $0xC0  }
0xab: {  	_ =	task [dreg:s7], $0x5FFFF  }
0xac: {  	[dreg:$0x1] =	wrdreg $0xFFFFFFFF  }
0xad: {  	[dreg:$0x0] =	wrdreg $0x60  }
0xae: {  	[dreg:$0x2] =	wrdreg s24  }
0xaf: {  	[dreg:$0x3] =	wrdreg s2  }
0xb0: {  	[dreg:$0x4] =	wrdreg $0x9  }
0xb1: {  	_ =	task.clear_ibuf [dreg:s7], $0x5FFFF;
	_ =	strace $0x90000046  }
0xb2: {  	s29 =	simm.s32 $0x9;
	_ =	strace $0x80000048  }
0xb3: {  	_ =	swait.ge [sflag:s29], $0x1  }
0xb4: {  	[sflag:s29] =	ssyncadd.s32 $0xFFFFFFFF  }
0xb5: {  	_ =	strace $0x90000048  }
0xb6: {  	_ =	sfence  }
0xb7: {  	s30 =	sld [smem:$0x0];
	_ =	sdelay $0x2  }
0xb8: {  	s31 =	sshll.u32 s1, $0xD;
	s1 =	sshrl.u32 s1, $0x2  }
0xb9: {  	s3 =	sand.u32 $0x4000, s31;
	s1 =	sadd.s32 s1, s30  }
0xba: {  	s0 =	sor.u32 s3, s0;
	s1 =	sshll.u32 s1, $0x11  }
0xbb: {  	s0 =	sor.u32 s1, s0  }
0xbc: {  	s0 =	sadd.s32 $0x8F2B, s0  }
0xbd: {  	[sflag:s0] =	ssyncadd.remote.s32 $0x1  }
0xbe: {  	_ =	sfence.sel $0xFFFF  }
0xbf: {  	[dreg:$0x0] =	wrdreg $0xFFFFFFFF;
	(pc) =	sbr.abs _section_cstart, $3  }
0xc0: {  	[dreg:$0x1] =	wrdreg $0xFFFFFFFF  }
0xc1: {  	_ =	task.clear_ibuf [dreg:s7], $0x2FFFF;
	_ =	strace $0x9FFFFFFF  }
0xc2: {  	(tm) =	ssettm $0x7FFFFFFF  }
0xc3: {  	_ =	shalt  }
tec
execute0_lowered:
.L_overlay_start_1:
0x0: {  	(tag) =	ssettag $0x1  }
0x1: {  	s5 =	rddreg [dreg:$0x0]  }
0x2: {  	s7 =	rddreg [dreg:$0x1]  }
0x3: {  	s0 =	rddreg [dreg:$0x2];
	s3 =	srdreg.scid  }
0x4: {  	s1 =	stileid.u32;
	s2 =	simm.s32 $0x0;
	s10 =	simm.s32 $0x3  }
0x5: {  	s11 =	simm.s32 $0x640;
	s12 =	simm.s32 $0xC80;
	s13 =	simm.s32 $0xD480  }
0x6: {  	s14 =	simm.s32 $0x1;
	s15 =	simm.s32 $0x19C80;
	s16 =	simm.s32 $0x2  }
0x7: {  	s3 =	sand.u32 $0x1, s3;
	s4 =	sshll.u32 s1, $0x1;
	[smem:$0x7FF] =	sst s2  }
0x8: {  	s17 =	simm.s32 $0x0;
	s6 =	sor.u32 s3, s4;
	_ =	strace $0x80000047  }
0x9: {  	s8 =	ssub.s32 $0x2, s3;
	s4 =	sadd.s32 $0x400, s5;
	s3 =	smul.u32 $0x6400, s6  }
0xa: {  	s5 =	sadd.s32 $0x19400, s5;
	s9 =	sshrl.u32 s8, $0x1;
	s30 =	sshll.u32 s6, $0xB  }
0xb: {  	s9 =	ssub.s32 s8, s9;
	s7 =	sadd.s32 s7, s30;
	s31 =	sshrl.u32 s3, $0x3  }
0xc: {  	s8 =	sadd.s32 $0xC80, s3;
	s9 =	smax.u32 s9, $0x1;
	s6 =	sadd.s32 s4, s31  }
.LBB2_1:
0xd: {  	[tilespmem:s2], [sflag:$0x3] =	stream.linear.gather [hbm4b:s6+s2], $0x640, $0x38;
	[tilespmem:$0x1A080] =	vst v63  }
0xe: {  	_ =	swait.ge [sflag:s10], $0x640  }
0xf: {  	[sflag:s10] =	ssyncset.done $0x0  }
0x10: {  	s18 =	simm.s32 $0x0;
	s19 =	simm.s32 $0x40;
	[sflag:s10] =	ssyncadd.s32 $0xFFFFF9C0  }
.LBB2_2:
0x11: {  	p0 =	sne.s32 s19, $0x18C0;
	v0 =	vld [tilespmem:s18+$0x0];
	_ =	sdelay $0x4  }
.Ltmp0:
0x12: {  	v1 =	vshll.u32 v0, $0x2;
	(pc) =	sbr.rel @p0 .LBB2_2-.Ltmp0, $4  }
0x13: {  	v2 =	vand.u32 $0xFFFFE000, v0;
	v0 =	vshrl.u32 v0, $0xB;
	v1 =	vand.u32 $0x1FFC, v1  }
0x14: {  	v0 =	vand.u32 $0x3, v0;
	v1 =	vor.u32 v2, v1  }
0x15: {  	v0 =	vor.u32 v0, v1  }
0x16: {  	[tilespmem:s18+$0x0] =	vst v0;
	s18 =	sshra.s32 s19, $0x2;
	s19 =	sadd.s32 $0x40, s19  }
0x17: {  	v0 =	vld [tilespmem:s18+$0x0];
	_ =	sdelay $0x4  }
0x18: {  	v1 =	vshll.u32 v0, $0x2  }
0x19: {  	v2 =	vand.u32 $0xFFFFE000, v0;
	v0 =	vshrl.u32 v0, $0xB;
	v1 =	vand.u32 $0x1FFC, v1  }
0x1a: {  	v0 =	vand.u32 $0x3, v0;
	v1 =	vor.u32 v2, v1  }
0x1b: {  	v0 =	vor.u32 v0, v1  }
0x1c: {  	s19 =	simm.s32 $0x0;
	[tilespmem:s18+$0x0] =	vst v0;
	s18 =	simm.s32 $0x0  }
0x1d: {  	[tilespmem:s12], [sflag:$0x1] =	stream.indirect.gather [hbm4b:s5+s11], $0x20, s18, s11, $0xb8;
	[tilespmem:$0x1A080] =	vst v63  }
.LBB2_4:
0x1e: {  	s20 =	sshllo.u32 s19, $0x1  }
0x1f: {  	s21 =	smul.u32 $0x640, s20;
	_ =	sdelay $0x1  }
0x20: {  	s21 =	sadd.s32 s3, s21  }
0x21: {  	s21 =	sshrl.u32 s21, $0x3  }
0x22: {  	s21 =	sadd.s32 s4, s21  }
0x23: {  	[tilespmem:s11], [sflag:$0x3] =	stream.linear.gather [hbm4b:s21+s18], $0x640, $0x38;
	[tilespmem:$0x1A080] =	vst v63  }
0x24: {  	_ =	swait.ge [sflag:s10], $0x640  }
0x25: {  	[sflag:s10] =	ssyncset.done $0x0  }
0x26: {  	s22 =	simm.s32 $0x40;
	s21 =	simm.s32 $0x0;
	[sflag:s10] =	ssyncadd.s32 $0xFFFFF9C0  }
.LBB2_5:
0x27: {  	p0 =	sne.s32 s22, $0x18C0;
	v0 =	vld [tilespmem:s21+$0x640];
	_ =	sdelay $0x4  }
.Ltmp1:
0x28: {  	v1 =	vshll.u32 v0, $0x2;
	(pc) =	sbr.rel @p0 .LBB2_5-.Ltmp1, $4  }
0x29: {  	v2 =	vand.u32 $0xFFFFE000, v0;
	v0 =	vshrl.u32 v0, $0xB;
	v1 =	vand.u32 $0x1FFC, v1  }
0x2a: {  	v0 =	vand.u32 $0x3, v0;
	v1 =	vor.u32 v2, v1  }
0x2b: {  	v0 =	vor.u32 v0, v1  }
0x2c: {  	[tilespmem:s21+$0x640] =	vst v0;
	s21 =	sshra.s32 s22, $0x2;
	s22 =	sadd.s32 $0x40, s22  }
0x2d: {  	v0 =	vld [tilespmem:s21+$0x640];
	_ =	sdelay $0x4  }
0x2e: {  	v1 =	vshll.u32 v0, $0x2  }
0x2f: {  	v2 =	vand.u32 $0xFFFFE000, v0;
	v0 =	vshrl.u32 v0, $0xB;
	v1 =	vand.u32 $0x1FFC, v1  }
0x30: {  	v0 =	vand.u32 $0x3, v0;
	v1 =	vor.u32 v2, v1  }
0x31: {  	v0 =	vor.u32 v0, v1  }
0x32: {  	[tilespmem:s21+$0x640] =	vst v0  }
0x33: {  	[tilespmem:s13], [sflag:$0x2] =	stream.indirect.gather [hbm4b:s5+s11], $0x20, s11, s11, $0xb8;
	[tilespmem:$0x1A080] =	vst v63  }
0x34: {  	_ =	swait.ge [sflag:s14], $0xC800  }
0x35: {  	[sflag:s14] =	ssyncset.done $0x0  }
0x36: {  	s21 =	simm.s32 $0xFA0;
	[sflag:s14] =	ssyncadd.s32 $0xFFFF3800  }
0x37: {  	v0 =	vld [tilespmem:s21+$0xFFFFFD00]  }
0x38: {  	v1 =	vld [tilespmem:s21+$0xFFFFFD10]  }
0x39: {  	v2 =	vld [tilespmem:s21+$0xFFFFFCE0]  }
0x3a: {  	v3 =	vld [tilespmem:s21+$0xFFFFFCF0]  }
0x3b: {  	v4 =	vld [tilespmem:s21+$0xFFFFFD20]  }
0x3c: {  	v5 =	vld [tilespmem:s21+$0xFFFFFD30]  }
0x3d: {  	v6 =	vld [tilespmem:s21+$0xFFFFFD40]  }
0x3e: {  	v7 =	vld [tilespmem:s21+$0xFFFFFD60];
	v0 =	vadd.f32 v0, v2  }
0x3f: {  	v2 =	vld [tilespmem:s21+$0xFFFFFD50]  }
0x40: {  	v59 =	vld [tilespmem:s21+$0xFFFFFD80];
	v1 =	vadd.f32 v1, v3;
	v0 =	vadd.f32 v4, v0  }
0x41: {  	v3 =	vld [tilespmem:s21+$0xFFFFFD70]  }
0x42: {  	v60 =	vld [tilespmem:s21+$0xFFFFFD90];
	v1 =	vadd.f32 v5, v1;
	v0 =	vadd.f32 v6, v0  }
0x43: {  	v61 =	vld [tilespmem:s21+$0xFFFFFDA0]  }
0x44: {  	v62 =	vld [tilespmem:s21+$0xFFFFFDC0];
	v1 =	vadd.f32 v2, v1;
	v0 =	vadd.f32 v7, v0  }
0x45: {  	v2 =	vld [tilespmem:s21+$0xFFFFFDB0]  }
0x46: {  	v63 =	vld [tilespmem:s21+$0xFFFFFDE0];
	v1 =	vadd.f32 v3, v1;
	v0 =	vadd.f32 v59, v0  }
0x47: {  	v3 =	vld [tilespmem:s21+$0xFFFFFDD0]  }
0x48: {  	v9 =	vld [tilespmem:s21+$0xFFFFFDF0];
	v1 =	vadd.f32 v60, v1;
	v0 =	vadd.f32 v61, v0  }
0x49: {  	v10 =	vld [tilespmem:s21+$0xFFFFFE00]  }
0x4a: {  	v11 =	vld [tilespmem:s21+$0xFFFFFE20];
	v1 =	vadd.f32 v2, v1;
	v0 =	vadd.f32 v62, v0  }
0x4b: {  	v2 =	vld [tilespmem:s21+$0xFFFFFE10]  }
0x4c: {  	v12 =	vld [tilespmem:s21+$0xFFFFFE40];
	v1 =	vadd.f32 v3, v1;
	v0 =	vadd.f32 v63, v0  }
0x4d: {  	v3 =	vld [tilespmem:s21+$0xFFFFFE30]  }
0x4e: {  	v13 =	vld [tilespmem:s21+$0xFFFFFE50];
	v1 =	vadd.f32 v9, v1;
	v0 =	vadd.f32 v10, v0  }
0x4f: {  	v14 =	vld [tilespmem:s21+$0xFFFFFE60]  }
0x50: {  	v15 =	vld [tilespmem:s21+$0xFFFFFE80];
	v1 =	vadd.f32 v2, v1;
	v0 =	vadd.f32 v11, v0  }
0x51: {  	v2 =	vld [tilespmem:s21+$0xFFFFFE70]  }
0x52: {  	v16 =	vld [tilespmem:s21+$0xFFFFFEA0];
	v1 =	vadd.f32 v3, v1;
	v0 =	vadd.f32 v12, v0  }
0x53: {  	v3 =	vld [tilespmem:s21+$0xFFFFFE90]  }
0x54: {  	v17 =	vld [tilespmem:s21+$0xFFFFFEB0];
	v1 =	vadd.f32 v13, v1;
	v0 =	vadd.f32 v14, v0  }
0x55: {  	v18 =	vld [tilespmem:s21+$0xFFFFFEC0]  }
0x56: {  	v19 =	vld [tilespmem:s21+$0xFFFFFEE0];
	v1 =	vadd.f32 v2, v1;
	v0 =	vadd.f32 v15, v0  }
0x57: {  	v2 =	vld [tilespmem:s21+$0xFFFFFED0]  }
0x58: {  	v20 =	vld [tilespmem:s21+$0xFFFFFF00];
	v1 =	vadd.f32 v3, v1;
	v0 =	vadd.f32 v16, v0  }
0x59: {  	v3 =	vld [tilespmem:s21+$0xFFFFFEF0]  }
0x5a: {  	v21 =	vld [tilespmem:s21+$0xFFFFFF10];
	v1 =	vadd.f32 v17, v1;
	v0 =	vadd.f32 v18, v0  }
0x5b: {  	v22 =	vld [tilespmem:s21+$0xFFFFFF20]  }
0x5c: {  	v23 =	vld [tilespmem:s21+$0xFFFFFF40];
	v1 =	vadd.f32 v2, v1;
	v0 =	vadd.f32 v19, v0  }
0x5d: {  	v2 =	vld [tilespmem:s21+$0xFFFFFF30]  }
0x5e: {  	v24 =	vld [tilespmem:s21+$0xFFFFFF60];
	v1 =	vadd.f32 v3, v1;
	v0 =	vadd.f32 v20, v0  }
0x5f: {  	v3 =	vld [tilespmem:s21+$0xFFFFFF50]  }
0x60: {  	v25 =	vld [tilespmem:s21+$0xFFFFFF70];
	v1 =	vadd.f32 v21, v1;
	v0 =	vadd.f32 v22, v0  }
0x61: {  	v26 =	vld [tilespmem:s21+$0xFFFFFF80]  }
0x62: {  	v27 =	vld [tilespmem:s21+$0xFFFFFFA0];
	v1 =	vadd.f32 v2, v1;
	v0 =	vadd.f32 v23, v0  }
0x63: {  	v2 =	vld [tilespmem:s21+$0xFFFFFF90]  }
0x64: {  	v28 =	vld [tilespmem:s21+$0xFFFFFFC0];
	v1 =	vadd.f32 v3, v1;
	v0 =	vadd.f32 v24, v0  }
0x65: {  	v3 =	vld [tilespmem:s21+$0xFFFFFFB0]  }
0x66: {  	v29 =	vld [tilespmem:s21+$0xFFFFFFD0];
	v1 =	vadd.f32 v25, v1;
	v0 =	vadd.f32 v26, v0  }
0x67: {  	v30 =	vld [tilespmem:s21+$0xFFFFFFE0]  }
0x68: {  	v31 =	vld [tilespmem:s21+$0x0];
	v1 =	vadd.f32 v2, v1;
	v0 =	vadd.f32 v27, v0  }
0x69: {  	v2 =	vld [tilespmem:s21+$0xFFFFFFF0]  }
0x6a: {  	v32 =	vld [tilespmem:s21+$0x20];
	v1 =	vadd.f32 v3, v1;
	v0 =	vadd.f32 v28, v0  }
0x6b: {  	v3 =	vld [tilespmem:s21+$0x10]  }
0x6c: {  	v33 =	vld [tilespmem:s21+$0x30];
	v1 =	vadd.f32 v29, v1;
	v0 =	vadd.f32 v30, v0  }
0x6d: {  	v34 =	vld [tilespmem:s21+$0x40]  }
0x6e: {  	v35 =	vld [tilespmem:s21+$0x60];
	v1 =	vadd.f32 v2, v1;
	v0 =	vadd.f32 v31, v0  }
0x6f: {  	v2 =	vld [tilespmem:s21+$0x50]  }
0x70: {  	v36 =	vld [tilespmem:s21+$0x80];
	v1 =	vadd.f32 v3, v1;
	v0 =	vadd.f32 v32, v0  }
0x71: {  	v3 =	vld [tilespmem:s21+$0x70]  }
0x72: {  	v37 =	vld [tilespmem:s21+$0x90];
	v1 =	vadd.f32 v33, v1;
	v0 =	vadd.f32 v34, v0  }
0x73: {  	v38 =	vld [tilespmem:s21+$0xA0]  }
0x74: {  	v39 =	vld [tilespmem:s21+$0xC0];
	v1 =	vadd.f32 v2, v1;
	v0 =	vadd.f32 v35, v0  }
0x75: {  	v2 =	vld [tilespmem:s21+$0xB0]  }
0x76: {  	v40 =	vld [tilespmem:s21+$0xE0];
	v1 =	vadd.f32 v3, v1;
	v0 =	vadd.f32 v36, v0  }
0x77: {  	v3 =	vld [tilespmem:s21+$0xD0]  }
0x78: {  	v41 =	vld [tilespmem:s21+$0xF0];
	v1 =	vadd.f32 v37, v1;
	v0 =	vadd.f32 v38, v0  }
0x79: {  	v42 =	vld [tilespmem:s21+$0x100]  }
0x7a: {  	v43 =	vld [tilespmem:s21+$0x120];
	v1 =	vadd.f32 v2, v1;
	v0 =	vadd.f32 v39, v0  }
0x7b: {  	v2 =	vld [tilespmem:s21+$0x110]  }
0x7c: {  	v44 =	vld [tilespmem:s21+$0x140];
	v1 =	vadd.f32 v3, v1;
	v0 =	vadd.f32 v40, v0  }
0x7d: {  	v3 =	vld [tilespmem:s21+$0x130]  }
0x7e: {  	v45 =	vld [tilespmem:s21+$0x150];
	v1 =	vadd.f32 v41, v1;
	v0 =	vadd.f32 v42, v0  }
0x7f: {  	v46 =	vld [tilespmem:s21+$0x160]  }
0x80: {  	v47 =	vld [tilespmem:s21+$0x180];
	v1 =	vadd.f32 v2, v1;
	v0 =	vadd.f32 v43, v0  }
0x81: {  	v2 =	vld [tilespmem:s21+$0x170]  }
0x82: {  	v48 =	vld [tilespmem:s21+$0x1A0];
	v1 =	vadd.f32 v3, v1;
	v0 =	vadd.f32 v44, v0  }
0x83: {  	v3 =	vld [tilespmem:s21+$0x190]  }
0x84: {  	v49 =	vld [tilespmem:s21+$0x1B0];
	v1 =	vadd.f32 v45, v1;
	v0 =	vadd.f32 v46, v0  }
0x85: {  	v50 =	vld [tilespmem:s21+$0x1C0]  }
0x86: {  	v51 =	vld [tilespmem:s21+$0x1E0];
	v1 =	vadd.f32 v2, v1;
	v0 =	vadd.f32 v47, v0  }
0x87: {  	v2 =	vld [tilespmem:s21+$0x1D0]  }
0x88: {  	v52 =	vld [tilespmem:s21+$0x200];
	v1 =	vadd.f32 v3, v1;
	v0 =	vadd.f32 v48, v0  }
0x89: {  	v3 =	vld [tilespmem:s21+$0x1F0]  }
0x8a: {  	v53 =	vld [tilespmem:s21+$0x210];
	v1 =	vadd.f32 v49, v1;
	v0 =	vadd.f32 v50, v0  }
0x8b: {  	v54 =	vld [tilespmem:s21+$0x220]  }
0x8c: {  	v55 =	vld [tilespmem:s21+$0x240];
	v1 =	vadd.f32 v2, v1;
	v0 =	vadd.f32 v51, v0  }
0x8d: {  	v2 =	vld [tilespmem:s21+$0x230]  }
0x8e: {  	v56 =	vld [tilespmem:s21+$0x260];
	v1 =	vadd.f32 v3, v1;
	v0 =	vadd.f32 v52, v0  }
0x8f: {  	v3 =	vld [tilespmem:s21+$0x250]  }
0x90: {  	v57 =	vld [tilespmem:s21+$0x270];
	v1 =	vadd.f32 v53, v1;
	v0 =	vadd.f32 v54, v0  }
0x91: {  	v58 =	vld [tilespmem:s21+$0x280]  }
0x92: {  	v59 =	vld [tilespmem:s21+$0x2A0];
	v1 =	vadd.f32 v2, v1;
	v0 =	vadd.f32 v55, v0  }
0x93: {  	v2 =	vld [tilespmem:s21+$0x290]  }
0x94: {  	v60 =	vld [tilespmem:s21+$0x2C0];
	v1 =	vadd.f32 v3, v1;
	v0 =	vadd.f32 v56, v0  }
0x95: {  	v3 =	vld [tilespmem:s21+$0x2B0]  }
0x96: {  	v61 =	vld [tilespmem:s21+$0x2D0];
	v1 =	vadd.f32 v57, v1;
	v0 =	vadd.f32 v58, v0  }
0x97: {  	v62 =	vld [tilespmem:s21+$0x2E0]  }
0x98: {  	v63 =	vld [tilespmem:s21+$0x300];
	v1 =	vadd.f32 v2, v1;
	v0 =	vadd.f32 v59, v0  }
0x99: {  	v2 =	vld [tilespmem:s21+$0x2F0]  }
0x9a: {  	v1 =	vadd.f32 v3, v1;
	v0 =	vadd.f32 v60, v0  }
0x9b: {  	v3 =	vld [tilespmem:s21+$0x310]  }
0x9c: {  	v1 =	vadd.f32 v61, v1;
	v0 =	vadd.f32 v62, v0;
	_ =	sdelay $0x1  }
0x9d: {  	v1 =	vadd.f32 v2, v1;
	v0 =	vadd.f32 v63, v0;
	_ =	sdelay $0x1  }
0x9e: {  	v1 =	vadd.f32 v3, v1;
	v2 =	vmul.f32 $1.999999960e-02, v0  }
0x9f: {  	s23 =	simm.s32 $0x0  }
0xa0: {  	s22 =	simm.s32 $0x80;
	v0 =	vmul.f32 $1.999999960e-02, v1;
	[tilespmem:s23+$0x19C80] =	vst v2  }
.LBB2_7:
0xa1: {  	p0 =	sne.s32 s22, $0xF80  }
0xa2: {  	[tilespmem:s23+$0x19C90] =	vst v0;
	s21 =	sadd.s32 $0x640, s21;
	s23 =	smov.u32 s22;
	s22 =	sadd.s32 $0x80, s22  }
0xa3: {  	v0 =	vld [tilespmem:s21+$0xFFFFFD00]  }
0xa4: {  	v1 =	vld [tilespmem:s21+$0xFFFFFD10]  }
0xa5: {  	v2 =	vld [tilespmem:s21+$0xFFFFFCE0]  }
0xa6: {  	v3 =	vld [tilespmem:s21+$0xFFFFFCF0]  }
0xa7: {  	v4 =	vld [tilespmem:s21+$0xFFFFFD20]  }
0xa8: {  	v5 =	vld [tilespmem:s21+$0xFFFFFD30]  }
0xa9: {  	v6 =	vld [tilespmem:s21+$0xFFFFFD40]  }
0xaa: {  	v0 =	vadd.f32 v0, v2;
	v2 =	vld [tilespmem:s21+$0xFFFFFD50]  }
0xab: {  	v1 =	vadd.f32 v1, v3;
	v3 =	vld [tilespmem:s21+$0xFFFFFD60]  }
0xac: {  	v0 =	vadd.f32 v4, v0;
	v4 =	vld [tilespmem:s21+$0xFFFFFD70]  }
0xad: {  	v1 =	vadd.f32 v5, v1;
	v5 =	vld [tilespmem:s21+$0xFFFFFD80]  }
0xae: {  	v0 =	vadd.f32 v6, v0;
	v6 =	vld [tilespmem:s21+$0xFFFFFD90]  }
0xaf: {  	v1 =	vadd.f32 v2, v1;
	v2 =	vld [tilespmem:s21+$0xFFFFFDA0]  }
0xb0: {  	v0 =	vadd.f32 v3, v0;
	v3 =	vld [tilespmem:s21+$0xFFFFFDB0]  }
0xb1: {  	v1 =	vadd.f32 v4, v1;
	v4 =	vld [tilespmem:s21+$0xFFFFFDC0]  }
0xb2: {  	v0 =	vadd.f32 v5, v0;
	v5 =	vld [tilespmem:s21+$0xFFFFFDD0]  }
0xb3: {  	v1 =	vadd.f32 v6, v1;
	v6 =	vld [tilespmem:s21+$0xFFFFFDE0]  }
0xb4: {  	v0 =	vadd.f32 v2, v0;
	v2 =	vld [tilespmem:s21+$0xFFFFFDF0]  }
0xb5: {  	v1 =	vadd.f32 v3, v1;
	v3 =	vld [tilespmem:s21+$0xFFFFFE00]  }
0xb6: {  	v0 =	vadd.f32 v4, v0;
	v4 =	vld [tilespmem:s21+$0xFFFFFE10]  }
0xb7: {  	v1 =	vadd.f32 v5, v1;
	v5 =	vld [tilespmem:s21+$0xFFFFFE20]  }
0xb8: {  	v0 =	vadd.f32 v6, v0;
	v6 =	vld [tilespmem:s21+$0xFFFFFE30]  }
0xb9: {  	v1 =	vadd.f32 v2, v1;
	v2 =	vld [tilespmem:s21+$0xFFFFFE40]  }
0xba: {  	v0 =	vadd.f32 v3, v0;
	v3 =	vld [tilespmem:s21+$0xFFFFFE50]  }
0xbb: {  	v1 =	vadd.f32 v4, v1;
	v4 =	vld [tilespmem:s21+$0xFFFFFE60]  }
0xbc: {  	v0 =	vadd.f32 v5, v0;
	v5 =	vld [tilespmem:s21+$0xFFFFFE70]  }
0xbd: {  	v1 =	vadd.f32 v6, v1;
	v6 =	vld [tilespmem:s21+$0xFFFFFE80]  }
0xbe: {  	v0 =	vadd.f32 v2, v0;
	v2 =	vld [tilespmem:s21+$0xFFFFFE90]  }
0xbf: {  	v1 =	vadd.f32 v3, v1;
	v3 =	vld [tilespmem:s21+$0xFFFFFEA0]  }
0xc0: {  	v0 =	vadd.f32 v4, v0;
	v4 =	vld [tilespmem:s21+$0xFFFFFEB0]  }
0xc1: {  	v1 =	vadd.f32 v5, v1;
	v5 =	vld [tilespmem:s21+$0xFFFFFEC0]  }
0xc2: {  	v0 =	vadd.f32 v6, v0;
	v6 =	vld [tilespmem:s21+$0xFFFFFED0]  }
0xc3: {  	v1 =	vadd.f32 v2, v1;
	v2 =	vld [tilespmem:s21+$0xFFFFFEE0]  }
0xc4: {  	v0 =	vadd.f32 v3, v0;
	v3 =	vld [tilespmem:s21+$0xFFFFFEF0]  }
0xc5: {  	v1 =	vadd.f32 v4, v1;
	v4 =	vld [tilespmem:s21+$0xFFFFFF00]  }
0xc6: {  	v0 =	vadd.f32 v5, v0;
	v5 =	vld [tilespmem:s21+$0xFFFFFF10]  }
0xc7: {  	v1 =	vadd.f32 v6, v1;
	v6 =	vld [tilespmem:s21+$0xFFFFFF20]  }
0xc8: {  	v0 =	vadd.f32 v2, v0;
	v2 =	vld [tilespmem:s21+$0xFFFFFF30]  }
0xc9: {  	v1 =	vadd.f32 v3, v1;
	v3 =	vld [tilespmem:s21+$0xFFFFFF40]  }
0xca: {  	v0 =	vadd.f32 v4, v0;
	v4 =	vld [tilespmem:s21+$0xFFFFFF50]  }
0xcb: {  	v1 =	vadd.f32 v5, v1;
	v5 =	vld [tilespmem:s21+$0xFFFFFF60]  }
0xcc: {  	v0 =	vadd.f32 v6, v0;
	v6 =	vld [tilespmem:s21+$0xFFFFFF70]  }
0xcd: {  	v1 =	vadd.f32 v2, v1;
	v2 =	vld [tilespmem:s21+$0xFFFFFF80]  }
0xce: {  	v0 =	vadd.f32 v3, v0;
	v3 =	vld [tilespmem:s21+$0xFFFFFF90]  }
0xcf: {  	v1 =	vadd.f32 v4, v1;
	v4 =	vld [tilespmem:s21+$0xFFFFFFA0]  }
0xd0: {  	v0 =	vadd.f32 v5, v0;
	v5 =	vld [tilespmem:s21+$0xFFFFFFB0]  }
0xd1: {  	v1 =	vadd.f32 v6, v1;
	v6 =	vld [tilespmem:s21+$0xFFFFFFC0]  }
0xd2: {  	v0 =	vadd.f32 v2, v0;
	v2 =	vld [tilespmem:s21+$0xFFFFFFD0]  }
0xd3: {  	v1 =	vadd.f32 v3, v1;
	v3 =	vld [tilespmem:s21+$0xFFFFFFE0]  }
0xd4: {  	v0 =	vadd.f32 v4, v0;
	v4 =	vld [tilespmem:s21+$0xFFFFFFF0]  }
0xd5: {  	v1 =	vadd.f32 v5, v1;
	v5 =	vld [tilespmem:s21+$0x0]  }
0xd6: {  	v0 =	vadd.f32 v6, v0;
	v6 =	vld [tilespmem:s21+$0x10]  }
0xd7: {  	v1 =	vadd.f32 v2, v1;
	v2 =	vld [tilespmem:s21+$0x20]  }
0xd8: {  	v0 =	vadd.f32 v3, v0;
	v3 =	vld [tilespmem:s21+$0x30]  }
0xd9: {  	v1 =	vadd.f32 v4, v1;
	v4 =	vld [tilespmem:s21+$0x40]  }
0xda: {  	v0 =	vadd.f32 v5, v0;
	v5 =	vld [tilespmem:s21+$0x50]  }
0xdb: {  	v1 =	vadd.f32 v6, v1;
	v6 =	vld [tilespmem:s21+$0x60]  }
0xdc: {  	v0 =	vadd.f32 v2, v0;
	v2 =	vld [tilespmem:s21+$0x70]  }
0xdd: {  	v1 =	vadd.f32 v3, v1;
	v3 =	vld [tilespmem:s21+$0x80]  }
0xde: {  	v0 =	vadd.f32 v4, v0;
	v4 =	vld [tilespmem:s21+$0x90]  }
0xdf: {  	v1 =	vadd.f32 v5, v1;
	v5 =	vld [tilespmem:s21+$0xA0]  }
0xe0: {  	v0 =	vadd.f32 v6, v0;
	v6 =	vld [tilespmem:s21+$0xB0]  }
0xe1: {  	v1 =	vadd.f32 v2, v1;
	v2 =	vld [tilespmem:s21+$0xC0]  }
0xe2: {  	v0 =	vadd.f32 v3, v0;
	v3 =	vld [tilespmem:s21+$0xD0]  }
0xe3: {  	v1 =	vadd.f32 v4, v1;
	v4 =	vld [tilespmem:s21+$0xE0]  }
0xe4: {  	v0 =	vadd.f32 v5, v0;
	v5 =	vld [tilespmem:s21+$0xF0]  }
0xe5: {  	v1 =	vadd.f32 v6, v1;
	v6 =	vld [tilespmem:s21+$0x100]  }
0xe6: {  	v0 =	vadd.f32 v2, v0;
	v2 =	vld [tilespmem:s21+$0x110]  }
0xe7: {  	v1 =	vadd.f32 v3, v1;
	v3 =	vld [tilespmem:s21+$0x120]  }
0xe8: {  	v0 =	vadd.f32 v4, v0;
	v4 =	vld [tilespmem:s21+$0x130]  }
0xe9: {  	v1 =	vadd.f32 v5, v1;
	v5 =	vld [tilespmem:s21+$0x140]  }
0xea: {  	v0 =	vadd.f32 v6, v0;
	v6 =	vld [tilespmem:s21+$0x150]  }
0xeb: {  	v1 =	vadd.f32 v2, v1;
	v2 =	vld [tilespmem:s21+$0x160]  }
0xec: {  	v0 =	vadd.f32 v3, v0;
	v3 =	vld [tilespmem:s21+$0x170]  }
0xed: {  	v1 =	vadd.f32 v4, v1;
	v4 =	vld [tilespmem:s21+$0x180]  }
0xee: {  	v0 =	vadd.f32 v5, v0;
	v5 =	vld [tilespmem:s21+$0x190]  }
0xef: {  	v1 =	vadd.f32 v6, v1;
	v6 =	vld [tilespmem:s21+$0x1A0]  }
0xf0: {  	v0 =	vadd.f32 v2, v0;
	v2 =	vld [tilespmem:s21+$0x1B0]  }
0xf1: {  	v1 =	vadd.f32 v3, v1;
	v3 =	vld [tilespmem:s21+$0x1C0]  }
0xf2: {  	v0 =	vadd.f32 v4, v0;
	v4 =	vld [tilespmem:s21+$0x1D0]  }
0xf3: {  	v1 =	vadd.f32 v5, v1;
	v5 =	vld [tilespmem:s21+$0x1E0]  }
0xf4: {  	v0 =	vadd.f32 v6, v0;
	v6 =	vld [tilespmem:s21+$0x1F0]  }
0xf5: {  	v1 =	vadd.f32 v2, v1;
	v2 =	vld [tilespmem:s21+$0x200]  }
0xf6: {  	v0 =	vadd.f32 v3, v0;
	v3 =	vld [tilespmem:s21+$0x210]  }
0xf7: {  	v1 =	vadd.f32 v4, v1;
	v4 =	vld [tilespmem:s21+$0x220]  }
0xf8: {  	v0 =	vadd.f32 v5, v0;
	v5 =	vld [tilespmem:s21+$0x230]  }
0xf9: {  	v1 =	vadd.f32 v6, v1;
	v6 =	vld [tilespmem:s21+$0x240]  }
0xfa: {  	v0 =	vadd.f32 v2, v0;
	v2 =	vld [tilespmem:s21+$0x250]  }
0xfb: {  	v1 =	vadd.f32 v3, v1;
	v3 =	vld [tilespmem:s21+$0x260]  }
0xfc: {  	v0 =	vadd.f32 v4, v0;
	v4 =	vld [tilespmem:s21+$0x270]  }
0xfd: {  	v1 =	vadd.f32 v5, v1;
	v5 =	vld [tilespmem:s21+$0x280]  }
0xfe: {  	v0 =	vadd.f32 v6, v0;
	v6 =	vld [tilespmem:s21+$0x290]  }
0xff: {  	v1 =	vadd.f32 v2, v1;
	v2 =	vld [tilespmem:s21+$0x2A0]  }
0x100: {  	v0 =	vadd.f32 v3, v0;
	v3 =	vld [tilespmem:s21+$0x2B0]  }
0x101: {  	v1 =	vadd.f32 v4, v1;
	v4 =	vld [tilespmem:s21+$0x2C0]  }
0x102: {  	v0 =	vadd.f32 v5, v0;
	v5 =	vld [tilespmem:s21+$0x2D0]  }
0x103: {  	v1 =	vadd.f32 v6, v1;
	v6 =	vld [tilespmem:s21+$0x2E0]  }
0x104: {  	v0 =	vadd.f32 v2, v0;
	v2 =	vld [tilespmem:s21+$0x2F0]  }
0x105: {  	v1 =	vadd.f32 v3, v1;
	v3 =	vld [tilespmem:s21+$0x300]  }
0x106: {  	v0 =	vadd.f32 v4, v0;
	v4 =	vld [tilespmem:s21+$0x310]  }
0x107: {  	v1 =	vadd.f32 v5, v1  }
0x108: {  	v0 =	vadd.f32 v6, v0  }
0x109: {  	v1 =	vadd.f32 v2, v1  }
.Ltmp2:
0x10a: {  	v0 =	vadd.f32 v3, v0;
	(pc) =	sbr.rel @p0 .LBB2_7-.Ltmp2, $4  }
0x10b: {  	v1 =	vadd.f32 v4, v1  }
0x10c: {  	v2 =	vmul.f32 $1.999999960e-02, v0  }
0x10d: {  	s23 =	sshra.s32 s23, $0x2;
	v0 =	vmul.f32 $1.999999960e-02, v1  }
0x10e: {  	[tilespmem:s23+$0x19C80] =	vst v2  }
0x10f: {  	s21 =	sshll.u32 s19, $0x8;
	p0 =	seq.s32 s19, $0x7  }
.Ltmp3:
0x110: {  	[tilespmem:s23+$0x19C90] =	vst v0;
	s21 =	sadd.s32 s21, s7;
	(pc) =	sbr.rel @p0 .LBB2_12-.Ltmp3, $4  }
0x111: {  	[hbm4b:s21+s2] =	stream.linear.scatter [tilespmem:s15], [sflag:$0x3], $0x400, $0x38;
	[tilespmem:$0x1A080] =	vst v63  }
0x112: {  	_ =	swait.ge [sflag:s10], $0x400  }
0x113: {  	[sflag:s10] =	ssyncset.done $0x0  }
0x114: {  	[sflag:s10] =	ssyncadd.s32 $0xFFFFFC00  }
0x115: {  	s21 =	smul.u32 $0xC80, s19;
	_ =	sdelay $0x1  }
0x116: {  	s21 =	sadd.s32 s21, s8  }
0x117: {  	s21 =	sshrl.u32 s21, $0x3  }
0x118: {  	s22 =	simm.s32 $0x0;
	s21 =	sadd.s32 s4, s21  }
0x119: {  	[tilespmem:s22], [sflag:$0x3] =	stream.linear.gather [hbm4b:s21+s22], $0x640, $0x38;
	[tilespmem:$0x1A080] =	vst v63  }
0x11a: {  	_ =	swait.ge [sflag:s10], $0x640  }
0x11b: {  	[sflag:s10] =	ssyncset.done $0x0  }
0x11c: {  	s21 =	simm.s32 $0x0;
	s22 =	simm.s32 $0x40;
	[sflag:s10] =	ssyncadd.s32 $0xFFFFF9C0  }
.LBB2_10:
0x11d: {  	p0 =	sne.s32 s22, $0x18C0;
	v0 =	vld [tilespmem:s21+$0x0];
	_ =	sdelay $0x4  }
.Ltmp4:
0x11e: {  	v1 =	vshll.u32 v0, $0x2;
	(pc) =	sbr.rel @p0 .LBB2_10-.Ltmp4, $4  }
0x11f: {  	v2 =	vand.u32 $0xFFFFE000, v0;
	v0 =	vshrl.u32 v0, $0xB;
	v1 =	vand.u32 $0x1FFC, v1  }
0x120: {  	v0 =	vand.u32 $0x3, v0;
	v1 =	vor.u32 v2, v1  }
0x121: {  	v0 =	vor.u32 v0, v1  }
0x122: {  	[tilespmem:s21+$0x0] =	vst v0;
	s21 =	sshra.s32 s22, $0x2;
	s22 =	sadd.s32 $0x40, s22  }
0x123: {  	v0 =	vld [tilespmem:s21+$0x0];
	_ =	sdelay $0x4  }
0x124: {  	v1 =	vshll.u32 v0, $0x2  }
0x125: {  	v2 =	vand.u32 $0xFFFFE000, v0;
	v0 =	vshrl.u32 v0, $0xB;
	v1 =	vand.u32 $0x1FFC, v1  }
0x126: {  	v0 =	vand.u32 $0x3, v0;
	v1 =	vor.u32 v2, v1  }
0x127: {  	v0 =	vor.u32 v0, v1  }
0x128: {  	[tilespmem:s21+$0x0] =	vst v0  }
0x129: {  	[tilespmem:s12], [sflag:$0x1] =	stream.indirect.gather [hbm4b:s5+s11], $0x20, s2, s11, $0xb8;
	[tilespmem:$0x1A080] =	vst v63  }
.LBB2_12:
0x12a: {  	_ =	swait.ge [sflag:s16], $0xC800  }
0x12b: {  	[sflag:s16] =	ssyncset.done $0x0  }
0x12c: {  	s21 =	simm.s32 $0xD7A0;
	[sflag:s16] =	ssyncadd.s32 $0xFFFF3800  }
0x12d: {  	v0 =	vld [tilespmem:s21+$0xFFFFFD00]  }
0x12e: {  	v1 =	vld [tilespmem:s21+$0xFFFFFD10]  }
0x12f: {  	v2 =	vld [tilespmem:s21+$0xFFFFFCE0]  }
0x130: {  	v3 =	vld [tilespmem:s21+$0xFFFFFCF0]  }
0x131: {  	v4 =	vld [tilespmem:s21+$0xFFFFFD20]  }
0x132: {  	v5 =	vld [tilespmem:s21+$0xFFFFFD30]  }
0x133: {  	v6 =	vld [tilespmem:s21+$0xFFFFFD40]  }
0x134: {  	v7 =	vld [tilespmem:s21+$0xFFFFFD60];
	v0 =	vadd.f32 v0, v2  }
0x135: {  	v2 =	vld [tilespmem:s21+$0xFFFFFD50]  }
0x136: {  	v59 =	vld [tilespmem:s21+$0xFFFFFD80];
	v1 =	vadd.f32 v1, v3;
	v0 =	vadd.f32 v4, v0  }
0x137: {  	v3 =	vld [tilespmem:s21+$0xFFFFFD70]  }
0x138: {  	v60 =	vld [tilespmem:s21+$0xFFFFFD90];
	v1 =	vadd.f32 v5, v1;
	v0 =	vadd.f32 v6, v0  }
0x139: {  	v61 =	vld [tilespmem:s21+$0xFFFFFDA0]  }
0x13a: {  	v62 =	vld [tilespmem:s21+$0xFFFFFDC0];
	v1 =	vadd.f32 v2, v1;
	v0 =	vadd.f32 v7, v0  }
0x13b: {  	v2 =	vld [tilespmem:s21+$0xFFFFFDB0]  }
0x13c: {  	v63 =	vld [tilespmem:s21+$0xFFFFFDE0];
	v1 =	vadd.f32 v3, v1;
	v0 =	vadd.f32 v59, v0  }
0x13d: {  	v3 =	vld [tilespmem:s21+$0xFFFFFDD0]  }
0x13e: {  	v9 =	vld [tilespmem:s21+$0xFFFFFDF0];
	v1 =	vadd.f32 v60, v1;
	v0 =	vadd.f32 v61, v0  }
0x13f: {  	v10 =	vld [tilespmem:s21+$0xFFFFFE00]  }
0x140: {  	v11 =	vld [tilespmem:s21+$0xFFFFFE20];
	v1 =	vadd.f32 v2, v1;
	v0 =	vadd.f32 v62, v0  }
0x141: {  	v2 =	vld [tilespmem:s21+$0xFFFFFE10]  }
0x142: {  	v12 =	vld [tilespmem:s21+$0xFFFFFE40];
	v1 =	vadd.f32 v3, v1;
	v0 =	vadd.f32 v63, v0  }
0x143: {  	v3 =	vld [tilespmem:s21+$0xFFFFFE30]  }
0x144: {  	v13 =	vld [tilespmem:s21+$0xFFFFFE50];
	v1 =	vadd.f32 v9, v1;
	v0 =	vadd.f32 v10, v0  }
0x145: {  	v14 =	vld [tilespmem:s21+$0xFFFFFE60]  }
0x146: {  	v15 =	vld [tilespmem:s21+$0xFFFFFE80];
	v1 =	vadd.f32 v2, v1;
	v0 =	vadd.f32 v11, v0  }
0x147: {  	v2 =	vld [tilespmem:s21+$0xFFFFFE70]  }
0x148: {  	v16 =	vld [tilespmem:s21+$0xFFFFFEA0];
	v1 =	vadd.f32 v3, v1;
	v0 =	vadd.f32 v12, v0  }
0x149: {  	v3 =	vld [tilespmem:s21+$0xFFFFFE90]  }
0x14a: {  	v17 =	vld [tilespmem:s21+$0xFFFFFEB0];
	v1 =	vadd.f32 v13, v1;
	v0 =	vadd.f32 v14, v0  }
0x14b: {  	v18 =	vld [tilespmem:s21+$0xFFFFFEC0]  }
0x14c: {  	v19 =	vld [tilespmem:s21+$0xFFFFFEE0];
	v1 =	vadd.f32 v2, v1;
	v0 =	vadd.f32 v15, v0  }
0x14d: {  	v2 =	vld [tilespmem:s21+$0xFFFFFED0]  }
0x14e: {  	v20 =	vld [tilespmem:s21+$0xFFFFFF00];
	v1 =	vadd.f32 v3, v1;
	v0 =	vadd.f32 v16, v0  }
0x14f: {  	v3 =	vld [tilespmem:s21+$0xFFFFFEF0]  }
0x150: {  	v21 =	vld [tilespmem:s21+$0xFFFFFF10];
	v1 =	vadd.f32 v17, v1;
	v0 =	vadd.f32 v18, v0  }
0x151: {  	v22 =	vld [tilespmem:s21+$0xFFFFFF20]  }
0x152: {  	v23 =	vld [tilespmem:s21+$0xFFFFFF40];
	v1 =	vadd.f32 v2, v1;
	v0 =	vadd.f32 v19, v0  }
0x153: {  	v2 =	vld [tilespmem:s21+$0xFFFFFF30]  }
0x154: {  	v24 =	vld [tilespmem:s21+$0xFFFFFF60];
	v1 =	vadd.f32 v3, v1;
	v0 =	vadd.f32 v20, v0  }
0x155: {  	v3 =	vld [tilespmem:s21+$0xFFFFFF50]  }
0x156: {  	v25 =	vld [tilespmem:s21+$0xFFFFFF70];
	v1 =	vadd.f32 v21, v1;
	v0 =	vadd.f32 v22, v0  }
0x157: {  	v26 =	vld [tilespmem:s21+$0xFFFFFF80]  }
0x158: {  	v27 =	vld [tilespmem:s21+$0xFFFFFFA0];
	v1 =	vadd.f32 v2, v1;
	v0 =	vadd.f32 v23, v0  }
0x159: {  	v2 =	vld [tilespmem:s21+$0xFFFFFF90]  }
0x15a: {  	v28 =	vld [tilespmem:s21+$0xFFFFFFC0];
	v1 =	vadd.f32 v3, v1;
	v0 =	vadd.f32 v24, v0  }
0x15b: {  	v3 =	vld [tilespmem:s21+$0xFFFFFFB0]  }
0x15c: {  	v29 =	vld [tilespmem:s21+$0xFFFFFFD0];
	v1 =	vadd.f32 v25, v1;
	v0 =	vadd.f32 v26, v0  }
0x15d: {  	v30 =	vld [tilespmem:s21+$0xFFFFFFE0]  }
0x15e: {  	v31 =	vld [tilespmem:s21+$0x0];
	v1 =	vadd.f32 v2, v1;
	v0 =	vadd.f32 v27, v0  }
0x15f: {  	v2 =	vld [tilespmem:s21+$0xFFFFFFF0]  }
0x160: {  	v32 =	vld [tilespmem:s21+$0x20];
	v1 =	vadd.f32 v3, v1;
	v0 =	vadd.f32 v28, v0  }
0x161: {  	v3 =	vld [tilespmem:s21+$0x10]  }
0x162: {  	v33 =	vld [tilespmem:s21+$0x30];
	v1 =	vadd.f32 v29, v1;
	v0 =	vadd.f32 v30, v0  }
0x163: {  	v34 =	vld [tilespmem:s21+$0x40]  }
0x164: {  	v35 =	vld [tilespmem:s21+$0x60];
	v1 =	vadd.f32 v2, v1;
	v0 =	vadd.f32 v31, v0  }
0x165: {  	v2 =	vld [tilespmem:s21+$0x50]  }
0x166: {  	v36 =	vld [tilespmem:s21+$0x80];
	v1 =	vadd.f32 v3, v1;
	v0 =	vadd.f32 v32, v0  }
0x167: {  	v3 =	vld [tilespmem:s21+$0x70]  }
0x168: {  	v37 =	vld [tilespmem:s21+$0x90];
	v1 =	vadd.f32 v33, v1;
	v0 =	vadd.f32 v34, v0  }
0x169: {  	v38 =	vld [tilespmem:s21+$0xA0]  }
0x16a: {  	v39 =	vld [tilespmem:s21+$0xC0];
	v1 =	vadd.f32 v2, v1;
	v0 =	vadd.f32 v35, v0  }
0x16b: {  	v2 =	vld [tilespmem:s21+$0xB0]  }
0x16c: {  	v40 =	vld [tilespmem:s21+$0xE0];
	v1 =	vadd.f32 v3, v1;
	v0 =	vadd.f32 v36, v0  }
0x16d: {  	v3 =	vld [tilespmem:s21+$0xD0]  }
0x16e: {  	v41 =	vld [tilespmem:s21+$0xF0];
	v1 =	vadd.f32 v37, v1;
	v0 =	vadd.f32 v38, v0  }
0x16f: {  	v42 =	vld [tilespmem:s21+$0x100]  }
0x170: {  	v43 =	vld [tilespmem:s21+$0x120];
	v1 =	vadd.f32 v2, v1;
	v0 =	vadd.f32 v39, v0  }
0x171: {  	v2 =	vld [tilespmem:s21+$0x110]  }
0x172: {  	v44 =	vld [tilespmem:s21+$0x140];
	v1 =	vadd.f32 v3, v1;
	v0 =	vadd.f32 v40, v0  }
0x173: {  	v3 =	vld [tilespmem:s21+$0x130]  }
0x174: {  	v45 =	vld [tilespmem:s21+$0x150];
	v1 =	vadd.f32 v41, v1;
	v0 =	vadd.f32 v42, v0  }
0x175: {  	v46 =	vld [tilespmem:s21+$0x160]  }
0x176: {  	v47 =	vld [tilespmem:s21+$0x180];
	v1 =	vadd.f32 v2, v1;
	v0 =	vadd.f32 v43, v0  }
0x177: {  	v2 =	vld [tilespmem:s21+$0x170]  }
0x178: {  	v48 =	vld [tilespmem:s21+$0x1A0];
	v1 =	vadd.f32 v3, v1;
	v0 =	vadd.f32 v44, v0  }
0x179: {  	v3 =	vld [tilespmem:s21+$0x190]  }
0x17a: {  	v49 =	vld [tilespmem:s21+$0x1B0];
	v1 =	vadd.f32 v45, v1;
	v0 =	vadd.f32 v46, v0  }
0x17b: {  	v50 =	vld [tilespmem:s21+$0x1C0]  }
0x17c: {  	v51 =	vld [tilespmem:s21+$0x1E0];
	v1 =	vadd.f32 v2, v1;
	v0 =	vadd.f32 v47, v0  }
0x17d: {  	v2 =	vld [tilespmem:s21+$0x1D0]  }
0x17e: {  	v52 =	vld [tilespmem:s21+$0x200];
	v1 =	vadd.f32 v3, v1;
	v0 =	vadd.f32 v48, v0  }
0x17f: {  	v3 =	vld [tilespmem:s21+$0x1F0]  }
0x180: {  	v53 =	vld [tilespmem:s21+$0x210];
	v1 =	vadd.f32 v49, v1;
	v0 =	vadd.f32 v50, v0  }
0x181: {  	v54 =	vld [tilespmem:s21+$0x220]  }
0x182: {  	v55 =	vld [tilespmem:s21+$0x240];
	v1 =	vadd.f32 v2, v1;
	v0 =	vadd.f32 v51, v0  }
0x183: {  	v2 =	vld [tilespmem:s21+$0x230]  }
0x184: {  	v56 =	vld [tilespmem:s21+$0x260];
	v1 =	vadd.f32 v3, v1;
	v0 =	vadd.f32 v52, v0  }
0x185: {  	v3 =	vld [tilespmem:s21+$0x250]  }
0x186: {  	v57 =	vld [tilespmem:s21+$0x270];
	v1 =	vadd.f32 v53, v1;
	v0 =	vadd.f32 v54, v0  }
0x187: {  	v58 =	vld [tilespmem:s21+$0x280]  }
0x188: {  	v59 =	vld [tilespmem:s21+$0x2A0];
	v1 =	vadd.f32 v2, v1;
	v0 =	vadd.f32 v55, v0  }
0x189: {  	v2 =	vld [tilespmem:s21+$0x290]  }
0x18a: {  	v60 =	vld [tilespmem:s21+$0x2C0];
	v1 =	vadd.f32 v3, v1;
	v0 =	vadd.f32 v56, v0  }
0x18b: {  	v3 =	vld [tilespmem:s21+$0x2B0]  }
0x18c: {  	v61 =	vld [tilespmem:s21+$0x2D0];
	v1 =	vadd.f32 v57, v1;
	v0 =	vadd.f32 v58, v0  }
0x18d: {  	v62 =	vld [tilespmem:s21+$0x2E0]  }
0x18e: {  	v63 =	vld [tilespmem:s21+$0x300];
	v1 =	vadd.f32 v2, v1;
	v0 =	vadd.f32 v59, v0  }
0x18f: {  	v2 =	vld [tilespmem:s21+$0x2F0]  }
0x190: {  	v1 =	vadd.f32 v3, v1;
	v0 =	vadd.f32 v60, v0  }
0x191: {  	v3 =	vld [tilespmem:s21+$0x310]  }
0x192: {  	v1 =	vadd.f32 v61, v1;
	v0 =	vadd.f32 v62, v0;
	_ =	sdelay $0x1  }
0x193: {  	v1 =	vadd.f32 v2, v1;
	v0 =	vadd.f32 v63, v0;
	_ =	sdelay $0x1  }
0x194: {  	v1 =	vadd.f32 v3, v1;
	v2 =	vmul.f32 $1.999999960e-02, v0  }
0x195: {  	s23 =	simm.s32 $0x0  }
0x196: {  	s22 =	simm.s32 $0x80;
	v0 =	vmul.f32 $1.999999960e-02, v1;
	[tilespmem:s23+$0x19C80] =	vst v2  }
.LBB2_13:
0x197: {  	p0 =	sne.s32 s22, $0xF80  }
0x198: {  	[tilespmem:s23+$0x19C90] =	vst v0;
	s21 =	sadd.s32 $0x640, s21;
	s23 =	smov.u32 s22;
	s22 =	sadd.s32 $0x80, s22  }
0x199: {  	v0 =	vld [tilespmem:s21+$0xFFFFFD00]  }
0x19a: {  	v1 =	vld [tilespmem:s21+$0xFFFFFD10]  }
0x19b: {  	v2 =	vld [tilespmem:s21+$0xFFFFFCE0]  }
0x19c: {  	v3 =	vld [tilespmem:s21+$0xFFFFFCF0]  }
0x19d: {  	v4 =	vld [tilespmem:s21+$0xFFFFFD20]  }
0x19e: {  	v5 =	vld [tilespmem:s21+$0xFFFFFD30]  }
0x19f: {  	v6 =	vld [tilespmem:s21+$0xFFFFFD40]  }
0x1a0: {  	v0 =	vadd.f32 v0, v2;
	v2 =	vld [tilespmem:s21+$0xFFFFFD50]  }
0x1a1: {  	v1 =	vadd.f32 v1, v3;
	v3 =	vld [tilespmem:s21+$0xFFFFFD60]  }
0x1a2: {  	v0 =	vadd.f32 v4, v0;
	v4 =	vld [tilespmem:s21+$0xFFFFFD70]  }
0x1a3: {  	v1 =	vadd.f32 v5, v1;
	v5 =	vld [tilespmem:s21+$0xFFFFFD80]  }
0x1a4: {  	v0 =	vadd.f32 v6, v0;
	v6 =	vld [tilespmem:s21+$0xFFFFFD90]  }
0x1a5: {  	v1 =	vadd.f32 v2, v1;
	v2 =	vld [tilespmem:s21+$0xFFFFFDA0]  }
0x1a6: {  	v0 =	vadd.f32 v3, v0;
	v3 =	vld [tilespmem:s21+$0xFFFFFDB0]  }
0x1a7: {  	v1 =	vadd.f32 v4, v1;
	v4 =	vld [tilespmem:s21+$0xFFFFFDC0]  }
0x1a8: {  	v0 =	vadd.f32 v5, v0;
	v5 =	vld [tilespmem:s21+$0xFFFFFDD0]  }
0x1a9: {  	v1 =	vadd.f32 v6, v1;
	v6 =	vld [tilespmem:s21+$0xFFFFFDE0]  }
0x1aa: {  	v0 =	vadd.f32 v2, v0;
	v2 =	vld [tilespmem:s21+$0xFFFFFDF0]  }
0x1ab: {  	v1 =	vadd.f32 v3, v1;
	v3 =	vld [tilespmem:s21+$0xFFFFFE00]  }
0x1ac: {  	v0 =	vadd.f32 v4, v0;
	v4 =	vld [tilespmem:s21+$0xFFFFFE10]  }
0x1ad: {  	v1 =	vadd.f32 v5, v1;
	v5 =	vld [tilespmem:s21+$0xFFFFFE20]  }
0x1ae: {  	v0 =	vadd.f32 v6, v0;
	v6 =	vld [tilespmem:s21+$0xFFFFFE30]  }
0x1af: {  	v1 =	vadd.f32 v2, v1;
	v2 =	vld [tilespmem:s21+$0xFFFFFE40]  }
0x1b0: {  	v0 =	vadd.f32 v3, v0;
	v3 =	vld [tilespmem:s21+$0xFFFFFE50]  }
0x1b1: {  	v1 =	vadd.f32 v4, v1;
	v4 =	vld [tilespmem:s21+$0xFFFFFE60]  }
0x1b2: {  	v0 =	vadd.f32 v5, v0;
	v5 =	vld [tilespmem:s21+$0xFFFFFE70]  }
0x1b3: {  	v1 =	vadd.f32 v6, v1;
	v6 =	vld [tilespmem:s21+$0xFFFFFE80]  }
0x1b4: {  	v0 =	vadd.f32 v2, v0;
	v2 =	vld [tilespmem:s21+$0xFFFFFE90]  }
0x1b5: {  	v1 =	vadd.f32 v3, v1;
	v3 =	vld [tilespmem:s21+$0xFFFFFEA0]  }
0x1b6: {  	v0 =	vadd.f32 v4, v0;
	v4 =	vld [tilespmem:s21+$0xFFFFFEB0]  }
0x1b7: {  	v1 =	vadd.f32 v5, v1;
	v5 =	vld [tilespmem:s21+$0xFFFFFEC0]  }
0x1b8: {  	v0 =	vadd.f32 v6, v0;
	v6 =	vld [tilespmem:s21+$0xFFFFFED0]  }
0x1b9: {  	v1 =	vadd.f32 v2, v1;
	v2 =	vld [tilespmem:s21+$0xFFFFFEE0]  }
0x1ba: {  	v0 =	vadd.f32 v3, v0;
	v3 =	vld [tilespmem:s21+$0xFFFFFEF0]  }
0x1bb: {  	v1 =	vadd.f32 v4, v1;
	v4 =	vld [tilespmem:s21+$0xFFFFFF00]  }
0x1bc: {  	v0 =	vadd.f32 v5, v0;
	v5 =	vld [tilespmem:s21+$0xFFFFFF10]  }
0x1bd: {  	v1 =	vadd.f32 v6, v1;
	v6 =	vld [tilespmem:s21+$0xFFFFFF20]  }
0x1be: {  	v0 =	vadd.f32 v2, v0;
	v2 =	vld [tilespmem:s21+$0xFFFFFF30]  }
0x1bf: {  	v1 =	vadd.f32 v3, v1;
	v3 =	vld [tilespmem:s21+$0xFFFFFF40]  }
0x1c0: {  	v0 =	vadd.f32 v4, v0;
	v4 =	vld [tilespmem:s21+$0xFFFFFF50]  }
0x1c1: {  	v1 =	vadd.f32 v5, v1;
	v5 =	vld [tilespmem:s21+$0xFFFFFF60]  }
0x1c2: {  	v0 =	vadd.f32 v6, v0;
	v6 =	vld [tilespmem:s21+$0xFFFFFF70]  }
0x1c3: {  	v1 =	vadd.f32 v2, v1;
	v2 =	vld [tilespmem:s21+$0xFFFFFF80]  }
0x1c4: {  	v0 =	vadd.f32 v3, v0;
	v3 =	vld [tilespmem:s21+$0xFFFFFF90]  }
0x1c5: {  	v1 =	vadd.f32 v4, v1;
	v4 =	vld [tilespmem:s21+$0xFFFFFFA0]  }
0x1c6: {  	v0 =	vadd.f32 v5, v0;
	v5 =	vld [tilespmem:s21+$0xFFFFFFB0]  }
0x1c7: {  	v1 =	vadd.f32 v6, v1;
	v6 =	vld [tilespmem:s21+$0xFFFFFFC0]  }
0x1c8: {  	v0 =	vadd.f32 v2, v0;
	v2 =	vld [tilespmem:s21+$0xFFFFFFD0]  }
0x1c9: {  	v1 =	vadd.f32 v3, v1;
	v3 =	vld [tilespmem:s21+$0xFFFFFFE0]  }
0x1ca: {  	v0 =	vadd.f32 v4, v0;
	v4 =	vld [tilespmem:s21+$0xFFFFFFF0]  }
0x1cb: {  	v1 =	vadd.f32 v5, v1;
	v5 =	vld [tilespmem:s21+$0x0]  }
0x1cc: {  	v0 =	vadd.f32 v6, v0;
	v6 =	vld [tilespmem:s21+$0x10]  }
0x1cd: {  	v1 =	vadd.f32 v2, v1;
	v2 =	vld [tilespmem:s21+$0x20]  }
0x1ce: {  	v0 =	vadd.f32 v3, v0;
	v3 =	vld [tilespmem:s21+$0x30]  }
0x1cf: {  	v1 =	vadd.f32 v4, v1;
	v4 =	vld [tilespmem:s21+$0x40]  }
0x1d0: {  	v0 =	vadd.f32 v5, v0;
	v5 =	vld [tilespmem:s21+$0x50]  }
0x1d1: {  	v1 =	vadd.f32 v6, v1;
	v6 =	vld [tilespmem:s21+$0x60]  }
0x1d2: {  	v0 =	vadd.f32 v2, v0;
	v2 =	vld [tilespmem:s21+$0x70]  }
0x1d3: {  	v1 =	vadd.f32 v3, v1;
	v3 =	vld [tilespmem:s21+$0x80]  }
0x1d4: {  	v0 =	vadd.f32 v4, v0;
	v4 =	vld [tilespmem:s21+$0x90]  }
0x1d5: {  	v1 =	vadd.f32 v5, v1;
	v5 =	vld [tilespmem:s21+$0xA0]  }
0x1d6: {  	v0 =	vadd.f32 v6, v0;
	v6 =	vld [tilespmem:s21+$0xB0]  }
0x1d7: {  	v1 =	vadd.f32 v2, v1;
	v2 =	vld [tilespmem:s21+$0xC0]  }
0x1d8: {  	v0 =	vadd.f32 v3, v0;
	v3 =	vld [tilespmem:s21+$0xD0]  }
0x1d9: {  	v1 =	vadd.f32 v4, v1;
	v4 =	vld [tilespmem:s21+$0xE0]  }
0x1da: {  	v0 =	vadd.f32 v5, v0;
	v5 =	vld [tilespmem:s21+$0xF0]  }
0x1db: {  	v1 =	vadd.f32 v6, v1;
	v6 =	vld [tilespmem:s21+$0x100]  }
0x1dc: {  	v0 =	vadd.f32 v2, v0;
	v2 =	vld [tilespmem:s21+$0x110]  }
0x1dd: {  	v1 =	vadd.f32 v3, v1;
	v3 =	vld [tilespmem:s21+$0x120]  }
0x1de: {  	v0 =	vadd.f32 v4, v0;
	v4 =	vld [tilespmem:s21+$0x130]  }
0x1df: {  	v1 =	vadd.f32 v5, v1;
	v5 =	vld [tilespmem:s21+$0x140]  }
0x1e0: {  	v0 =	vadd.f32 v6, v0;
	v6 =	vld [tilespmem:s21+$0x150]  }
0x1e1: {  	v1 =	vadd.f32 v2, v1;
	v2 =	vld [tilespmem:s21+$0x160]  }
0x1e2: {  	v0 =	vadd.f32 v3, v0;
	v3 =	vld [tilespmem:s21+$0x170]  }
0x1e3: {  	v1 =	vadd.f32 v4, v1;
	v4 =	vld [tilespmem:s21+$0x180]  }
0x1e4: {  	v0 =	vadd.f32 v5, v0;
	v5 =	vld [tilespmem:s21+$0x190]  }
0x1e5: {  	v1 =	vadd.f32 v6, v1;
	v6 =	vld [tilespmem:s21+$0x1A0]  }
0x1e6: {  	v0 =	vadd.f32 v2, v0;
	v2 =	vld [tilespmem:s21+$0x1B0]  }
0x1e7: {  	v1 =	vadd.f32 v3, v1;
	v3 =	vld [tilespmem:s21+$0x1C0]  }
0x1e8: {  	v0 =	vadd.f32 v4, v0;
	v4 =	vld [tilespmem:s21+$0x1D0]  }
0x1e9: {  	v1 =	vadd.f32 v5, v1;
	v5 =	vld [tilespmem:s21+$0x1E0]  }
0x1ea: {  	v0 =	vadd.f32 v6, v0;
	v6 =	vld [tilespmem:s21+$0x1F0]  }
0x1eb: {  	v1 =	vadd.f32 v2, v1;
	v2 =	vld [tilespmem:s21+$0x200]  }
0x1ec: {  	v0 =	vadd.f32 v3, v0;
	v3 =	vld [tilespmem:s21+$0x210]  }
0x1ed: {  	v1 =	vadd.f32 v4, v1;
	v4 =	vld [tilespmem:s21+$0x220]  }
0x1ee: {  	v0 =	vadd.f32 v5, v0;
	v5 =	vld [tilespmem:s21+$0x230]  }
0x1ef: {  	v1 =	vadd.f32 v6, v1;
	v6 =	vld [tilespmem:s21+$0x240]  }
0x1f0: {  	v0 =	vadd.f32 v2, v0;
	v2 =	vld [tilespmem:s21+$0x250]  }
0x1f1: {  	v1 =	vadd.f32 v3, v1;
	v3 =	vld [tilespmem:s21+$0x260]  }
0x1f2: {  	v0 =	vadd.f32 v4, v0;
	v4 =	vld [tilespmem:s21+$0x270]  }
0x1f3: {  	v1 =	vadd.f32 v5, v1;
	v5 =	vld [tilespmem:s21+$0x280]  }
0x1f4: {  	v0 =	vadd.f32 v6, v0;
	v6 =	vld [tilespmem:s21+$0x290]  }
0x1f5: {  	v1 =	vadd.f32 v2, v1;
	v2 =	vld [tilespmem:s21+$0x2A0]  }
0x1f6: {  	v0 =	vadd.f32 v3, v0;
	v3 =	vld [tilespmem:s21+$0x2B0]  }
0x1f7: {  	v1 =	vadd.f32 v4, v1;
	v4 =	vld [tilespmem:s21+$0x2C0]  }
0x1f8: {  	v0 =	vadd.f32 v5, v0;
	v5 =	vld [tilespmem:s21+$0x2D0]  }
0x1f9: {  	v1 =	vadd.f32 v6, v1;
	v6 =	vld [tilespmem:s21+$0x2E0]  }
0x1fa: {  	v0 =	vadd.f32 v2, v0;
	v2 =	vld [tilespmem:s21+$0x2F0]  }
0x1fb: {  	v1 =	vadd.f32 v3, v1;
	v3 =	vld [tilespmem:s21+$0x300]  }
0x1fc: {  	v0 =	vadd.f32 v4, v0;
	v4 =	vld [tilespmem:s21+$0x310]  }
0x1fd: {  	v1 =	vadd.f32 v5, v1  }
0x1fe: {  	v0 =	vadd.f32 v6, v0  }
0x1ff: {  	v1 =	vadd.f32 v2, v1  }
.Ltmp5:
0x200: {  	v0 =	vadd.f32 v3, v0;
	(pc) =	sbr.rel @p0 .LBB2_13-.Ltmp5, $4  }
0x201: {  	v1 =	vadd.f32 v4, v1  }
0x202: {  	v2 =	vmul.f32 $1.999999960e-02, v0  }
0x203: {  	s23 =	sshra.s32 s23, $0x2;
	v0 =	vmul.f32 $1.999999960e-02, v1  }
0x204: {  	[tilespmem:s23+$0x19C80] =	vst v2  }
0x205: {  	s19 =	sadd.s32 $0x1, s19  }
0x206: {  	s20 =	sshll.u32 s20, $0x7;
	p0 =	sne.s32 s19, $0x8  }
.Ltmp6:
0x207: {  	[tilespmem:s23+$0x19C90] =	vst v0;
	s20 =	sadd.s32 s20, s7;
	(pc) =	sbr.rel @p0 .LBB2_4-.Ltmp6, $4  }
0x208: {  	[hbm4b:s20+s2] =	stream.linear.scatter [tilespmem:s15], [sflag:$0x3], $0x400, $0x38;
	[tilespmem:$0x1A080] =	vst v63  }
0x209: {  	_ =	swait.ge [sflag:s10], $0x400  }
0x20a: {  	[sflag:s10] =	ssyncset.done $0x0  }
0x20b: {  	[sflag:s10] =	ssyncadd.s32 $0xFFFFFC00  }
0x20c: {  	s17 =	sadd.s32 $0x1, s17  }
0x20d: {  	p0 =	sne.s32 s17, s9  }
.Ltmp7:
0x20e: {  	_ = 	snop;
	(pc) =	sbr.rel @p0 .LBB2_1-.Ltmp7, $1  }
0x20f: {  	_ =	sdelay $0x3  }
0x210: {  	_ =	sfence.sel $0x180000  }
0x211: {  	[bflag:$0x0] =	sbarrier.arrive $0xFFFF  }
0x212: {  	p0 =	sne.s32 s1, $0x0;
	_ =	strace $0x90000047  }
0x213: {  	s0 =	sadd.s32 @!p0 $0x100000, s0;
	[bflag:$0x2] =	sbarrier.arrive $0xFFFF  }
0x214: {  	[sflag:s0] =	ssyncadd.tile.s32 @!p0 $0x1;
	_ =	shalt  }
.Lfunc_end2:
_tile_overlayer_lowered:
.L_overlay_start_2:
0x215: {  	(tag) =	ssettag $0x2  }
0x216: {  	s0 =	rddreg [dreg:$0x0];
	s2 =	stileid.u32  }
0x217: {  	s1 =	rddreg [dreg:$0x1];
	p0 =	sne.s32 s2, $0x0  }
0x218: {  	s3 =	rddreg [dreg:$0x2];
	[bflag:$0x3] =	sbarrier.arrive $0xFFFF;
	s2 =	simm.s32 @!p0 $0x1C03  }
0x219: {  	[timem:s3], [sflag:s2] =	dma.local @!p0 [hbm:s0], s1  }
0x21a: {  	s0 =	simm.s32 @!p0 $0x3  }
0x21b: {  	_ =	swait.ge @!p0 [sflag:s0], s1  }
0x21c: {  	s1 =	ssub.s32 @!p0 $0x0, s1;
	[sflag:s0] =	ssyncset.done @!p0 $0x0  }
0x21d: {  	[sflag:s0] =	ssyncadd.s32 @!p0 s1  }
0x21e: {  	[bflag:$0x3] =	sbarrier.arrive $0xFFFF  }
0x21f: {  	_ =	shalt  }

</sc_bundles>
